<compile_context>
chip_gen: v7x
topology: tpu7x:2x2x1
jax: 0.10.2.dev20260603
libtpu: 0.0.44.dev20260713+nightly
codegen_flags: <defaults>
</compile_context>

<pallas_src>
import jax
import jax.numpy as jnp
from jax import lax
from jax.experimental import pallas as pl
from jax.experimental.pallas import tpu as pltpu
from jax.experimental.pallas import tpu_sc as plsc

_N = 10000
_E = 320000
_DIN = 128
_DH = 8
_DOUT = 64
_W = 16
_NP = _N + 8

_NC = 2
_NS = 16
_NW = _NC * _NS
_B = 128
_K = 80
_EP = _NW * _K * _B
_K0 = 80
_K1 = 80
_E0 = _NS * _K0 * _B
_AT = 10
_AR = _N // _AT

_f32 = jnp.float32


_R = 4


def _sc_body(src_hbm, dst_hbm, feat_hbm, out_hbm,
             si_v, di_v, g0_v, g1_v, g2_v, g3_v,
             stg_v, acc_sh, tab_sh, sg0, sg1, sg2, sg3):
    g_vs = (g0_v, g1_v, g2_v, g3_v)
    sg = (sg0, sg1, sg2, sg3)
    c = lax.axis_index("c")
    s = lax.axis_index("s")
    w = c * _NS + s

    pltpu.sync_copy(src_hbm.at[w], si_v)
    pltpu.sync_copy(dst_hbm.at[w], di_v)

    @pl.when(s < _AT)
    def _zero():
        pltpu.sync_copy(feat_hbm.at[pl.ds(s * _AR, _AR)],
                        tab_sh.at[pl.ds(s * _AR, _AR)])

        def _z(i, carry):
            stg_v[i] = jnp.zeros((_W,), _f32)
            return carry
        lax.fori_loop(0, _AR, _z, 0, unroll=8)
        pltpu.sync_copy(stg_v, acc_sh.at[pl.ds(s * _AR, _AR)])
    plsc.subcore_barrier()

    for b in range(_R):
        pltpu.async_copy(tab_sh.at[si_v.at[b, 0]], g_vs[b], sg[b])

    def _group(g, carry):
        for b in range(_R):
            j = _R * g + b
            pltpu.make_async_copy(tab_sh.at[si_v.at[0, 0]], g_vs[b],
                                  sg[b]).wait()
            pltpu.sync_copy(g_vs[b], acc_sh.at[di_v.at[j, 0]], add=True)

            @pl.when(j + _R < _K)
            def _prefetch(j=j, b=b):
                pltpu.async_copy(tab_sh.at[si_v.at[j + _R, 0]],
                                 g_vs[b], sg[b])
        return carry
    lax.fori_loop(0, _K // _R, _group, 0)
    plsc.subcore_barrier()

    @pl.when(s < _AT)
    def _pub():
        pltpu.sync_copy(acc_sh.at[pl.ds(s * _AR, _AR)],
                        out_hbm.at[c, pl.ds(s * _AR, _AR)])


_sc_aggregate_cache = []


def _sc_aggregate(src, dst, feat):
    if not _sc_aggregate_cache:
        _sc_aggregate_cache.append(pl.kernel(
            _sc_body,
            out_type=jax.ShapeDtypeStruct((_NC, _N, _W), _f32),
            mesh=plsc.VectorSubcoreMesh(core_axis_name="c", subcore_axis_name="s",
                                        num_cores=_NC, num_subcores=_NS),
            compiler_params=pltpu.CompilerParams(use_tc_tiling_on_sc=False),
            scratch_types=[
                pltpu.VMEM((_K0, 1, _B), jnp.int32),
                pltpu.VMEM((_K0, 1, _B), jnp.int32),
            ] + [pltpu.VMEM((_B, _W), _f32)] * _R
              + [pltpu.VMEM((_AR, _W), _f32),
                 pltpu.VMEM_SHARED((_NP, _W), _f32),
                 pltpu.VMEM_SHARED((_NP, _W), _f32)]
              + [pltpu.SemaphoreType.DMA] * _R,
        ))
    return _sc_aggregate_cache[0](src, dst, feat)


def _tc1_body(x_ref, wct_ref, y_ref, xr_ref):
    y = jnp.dot(x_ref[...], wct_ref[...], preferred_element_type=_f32)
    ye = jnp.concatenate(
        [y[:, :_DH], jnp.ones((_N, 1), _f32), jnp.zeros((_N, _W - _DH - 1), _f32)],
        axis=1)
    y_ref[...] = jnp.concatenate([ye, jnp.zeros((_NP - _N, _W), _f32)], axis=0)
    xr_ref[...] = y[:, _DH:]


_tc1 = pl.pallas_call(
    _tc1_body,
    out_shape=(jax.ShapeDtypeStruct((_NP, _W), _f32),
               jax.ShapeDtypeStruct((_N, _DH), _f32)),
)


def _tc2_body(p_ref, xr_ref, b1_ref, h_ref):
    acc = p_ref[0] + p_ref[1]
    deg = jnp.maximum(acc[:, _DH:_DH + 1], 1.0)
    t = jnp.maximum(acc[:, :_DH] / deg + b1_ref[...] + xr_ref[...], 0.0)
    he = jnp.concatenate(
        [t, jnp.ones((_N, 1), _f32), jnp.zeros((_N, _W - _DH - 1), _f32)],
        axis=1)
    h_ref[...] = jnp.concatenate([he, jnp.zeros((_NP - _N, _W), _f32)], axis=0)


_tc2 = pl.pallas_call(
    _tc2_body,
    out_shape=jax.ShapeDtypeStruct((_NP, _W), _f32),
)


def _tc3_body(p_ref, h_ref, w2l_ref, w2r_ref, b2_ref, o_ref):
    acc = p_ref[0] + p_ref[1]
    deg = jnp.maximum(acc[:, _DH:_DH + 1], 1.0)
    col = lax.broadcasted_iota(jnp.int32, (_N, _W), 1)
    z = jnp.where(col < _DH, acc / deg, 0.0)
    o = (jnp.dot(z, w2l_ref[...], preferred_element_type=_f32)
         + jnp.dot(h_ref[:_N, :], w2r_ref[...], preferred_element_type=_f32)
         + b2_ref[...])
    m = jnp.max(o, axis=1, keepdims=True)
    o_ref[...] = o - m - jnp.log(jnp.sum(jnp.exp(o - m), axis=1, keepdims=True))


_tc3 = pl.pallas_call(
    _tc3_body,
    out_shape=jax.ShapeDtypeStruct((_N, _DOUT), _f32),
)


def kernel(x, edge_index, W1l, b1l, W1r, W2l, b2l, W2r):
    pad = jnp.full((2, _EP - _E), _N, dtype=jnp.int32)
    eip = jnp.concatenate([edge_index, pad], axis=1)
    e0 = eip[:, :_E0].reshape(2, _NS, _K0, 1, _B)
    e1 = eip[:, _E0:].reshape(2, _NS, _K1, 1, _B)
    e1 = jnp.pad(e1, ((0, 0), (0, 0), (0, _K0 - _K1), (0, 0), (0, 0)),
                 constant_values=_N)
    ei4 = jnp.concatenate([e0, e1], axis=1)
    src = ei4[0]
    dst = ei4[1]
    wct = jnp.concatenate([W1l, W1r], axis=0).T
    b1e = b1l.reshape(1, _DH)
    w2lt = jnp.pad(W2l.T, ((0, _W - _DH), (0, 0)))
    w2rt = jnp.pad(W2r.T, ((0, _W - _DH), (0, 0)))
    b2e = b2l.reshape(1, _DOUT)

    y_ext, xr = _tc1(x, wct)
    p1 = _sc_aggregate(src, dst, y_ext)
    h_ext = _tc2(p1, xr, b1e)
    p2 = _sc_aggregate(src, dst, h_ext)
    return _tc3(p2, h_ext, w2lt, w2rt, b2e)

# --- scband reference (transcript-rebuilt; emitter-appended) ---
"""Pipeline reference for scband-graph-sage-5171140624748 (READ-ONLY COPY).

The authoritative reference and input builder live on the scoring server;
editing this copy changes nothing except your own understanding.
"""

import jax, jax.numpy as jnp
import numpy as np

N = 10000
E = 320000
D_IN = 128
D_H = 8
D_OUT = 64


def setup_inputs(seed: int = 0) -> dict:
    key = jax.random.key(seed)
    ks = jax.random.split(key, 9)
    x = jax.random.normal(ks[0], (N, D_IN), dtype=jnp.float32)
    edge_index = jax.random.randint(ks[1], (2, E), 0, N, dtype=jnp.int32)
    # SAGEConv params: lin_l (applied to mean-aggregated neighbors, with bias),
    # lin_r (applied to root/self features, no bias) -- PyG convention.
    W1l = jax.random.normal(ks[2], (D_H, D_IN), dtype=jnp.float32) * 0.1
    b1l = jnp.zeros((D_H,), dtype=jnp.float32)
    W1r = jax.random.normal(ks[3], (D_H, D_IN), dtype=jnp.float32) * 0.1
    W2l = jax.random.normal(ks[4], (D_OUT, D_H), dtype=jnp.float32) * 0.1
    b2l = jnp.zeros((D_OUT,), dtype=jnp.float32)
    W2r = jax.random.normal(ks[5], (D_OUT, D_H), dtype=jnp.float32) * 0.1
    return {"x": x, "edge_index": edge_index, "W1l": W1l, "b1l": b1l, "W1r": W1r, "W2l": W2l, "b2l": b2l, "W2r": W2r}


def _sage_conv(x, edge_index, Wl, bl, Wr):
    src = edge_index[0]
    dst = edge_index[1]
    msgs = jnp.take(x, src, axis=0)                                   # gather
    agg_sum = jax.ops.segment_sum(msgs, dst, num_segments=N)          # scatter-add
    deg = jax.ops.segment_sum(jnp.ones((edge_index.shape[1],), dtype=x.dtype), dst, num_segments=N)
    deg = jnp.maximum(deg, 1.0)
    agg = agg_sum / deg[:, None]                                      # mean aggregation
    return agg @ Wl.T + bl + x @ Wr.T


def reference(x, edge_index, W1l, b1l, W1r, W2l, b2l, W2r):
    h = jax.nn.relu(_sage_conv(x, edge_index, W1l, b1l, W1r))
    o = _sage_conv(h, edge_index, W2l, b2l, W2r)
    return jax.nn.log_softmax(o, axis=1)

if __name__ == "__main__":
    import jax
    _d = setup_inputs()
    print(jax.jit(kernel)(*tuple(_d.values())))

</pallas_src>

<mosaic_0001>
#map = affine_map<(d0, d1) -> (0, 0, 0, 0)>
#map1 = affine_map<(d0, d1) -> (0, 0)>
#map2 = affine_map<(d0, d1) -> (0, 0, 0)>
module attributes {stable_mosaic.version = 14 : i64} {
  func.func @_sc_body(%arg0: i32, %arg1: i32, %arg2: memref<32x80x1x128xi32, #tpu.memory_space<hbm>>, %arg3: memref<32x80x1x128xi32, #tpu.memory_space<hbm>>, %arg4: memref<10008x16xf32, #tpu.memory_space<hbm>>, %arg5: memref<2x10000x16xf32, #tpu.memory_space<hbm>>, %arg6: memref<80x1x128xi32, #tpu.memory_space<vmem>>, %arg7: memref<80x1x128xi32, #tpu.memory_space<vmem>>, %arg8: memref<128x16xf32, #tpu.memory_space<vmem>>, %arg9: memref<128x16xf32, #tpu.memory_space<vmem>>, %arg10: memref<128x16xf32, #tpu.memory_space<vmem>>, %arg11: memref<128x16xf32, #tpu.memory_space<vmem>>, %arg12: memref<1000x16xf32, #tpu.memory_space<vmem>>, %arg13: memref<10008x16xf32, #tpu.memory_space<vmem_shared>>, %arg14: memref<10008x16xf32, #tpu.memory_space<vmem_shared>>, %arg15: memref<!tpu.dma_semaphore, #tpu.memory_space<semaphore_mem>>, %arg16: memref<!tpu.dma_semaphore, #tpu.memory_space<semaphore_mem>>, %arg17: memref<!tpu.dma_semaphore, #tpu.memory_space<semaphore_mem>>, %arg18: memref<!tpu.dma_semaphore, #tpu.memory_space<semaphore_mem>>) attributes {dimension_semantics = [#tpu.dimension_semantics<core_parallel>, #tpu.dimension_semantics<subcore_parallel>], iteration_bounds = array<i64: 2, 16>, scalar_prefetch = 0 : i64, scratch_operands = 13 : i64, tpu.core_type = #tpu.core_type<sc_vector_subcore>, window_params = [{transform_indices = #map}, {transform_indices = #map}, {transform_indices = #map1}, {transform_indices = #map2}]} {
    %mul3A = arith.constant 16 : i32
    %mul3A_0 = arith.muli %arg0, %mul3A : i32
    %add3A = arith.addi %mul3A_0, %arg1 : i32
    "tpu.region"() ({
      %run_scoped3A = tpu.sem_alloc : memref<!tpu.dma_semaphore, #tpu.memory_space<semaphore_mem>>
      %dma_start3A_45 = arith.constant 0 : i32
      %dma_start3A_46 = arith.constant 0 : i32
      %dma_start3A_47 = arith.constant 0 : i32
      %dma_start3A_48 = tpu.memref_slice %arg2[%add3A, %dma_start3A_45, %dma_start3A_46, %dma_start3A_47] : memref<32x80x1x128xi32, #tpu.memory_space<hbm>> -> memref<1x80x1x128xi32, #tpu.memory_space<hbm>>
      %dma_start3A_49 = tpu.memref_squeeze %dma_start3A_48 : memref<1x80x1x128xi32, #tpu.memory_space<hbm>> -> memref<80x1x128xi32, #tpu.memory_space<hbm>>
      %dma_start3A_50 = arith.constant 0 : i32
      %dma_start3A_51 = arith.constant 0 : i32
      %dma_start3A_52 = arith.constant 0 : i32
      %dma_start3A_53 = tpu.memref_slice %arg2[%add3A, %dma_start3A_50, %dma_start3A_51, %dma_start3A_52] : memref<32x80x1x128xi32, #tpu.memory_space<hbm>> -> memref<1x80x1x128xi32, #tpu.memory_space<hbm>>
      %dma_start3A_54 = tpu.memref_squeeze %dma_start3A_53 : memref<1x80x1x128xi32, #tpu.memory_space<hbm>> -> memref<80x1x128xi32, #tpu.memory_space<hbm>>
      tpu.enqueue_dma source(%dma_start3A_54 : memref<80x1x128xi32, #tpu.memory_space<hbm>>) target(%arg6 : memref<80x1x128xi32, #tpu.memory_space<vmem>>) target_semaphore(%run_scoped3A : memref<!tpu.dma_semaphore, #tpu.memory_space<semaphore_mem>>)
      %dma_wait3A = arith.constant 0 : i32
      %dma_wait3A_55 = arith.constant 0 : i32
      %dma_wait3A_56 = arith.constant 0 : i32
      %dma_wait3A_57 = tpu.memref_slice %arg2[%add3A, %dma_wait3A, %dma_wait3A_55, %dma_wait3A_56] : memref<32x80x1x128xi32, #tpu.memory_space<hbm>> -> memref<1x80x1x128xi32, #tpu.memory_space<hbm>>
      %dma_wait3A_58 = tpu.memref_squeeze %dma_wait3A_57 : memref<1x80x1x128xi32, #tpu.memory_space<hbm>> -> memref<80x1x128xi32, #tpu.memory_space<hbm>>
      %dma_wait3A_59 = arith.constant 0 : i32
      %dma_wait3A_60 = arith.constant 0 : i32
      %dma_wait3A_61 = arith.constant 0 : i32
      %dma_wait3A_62 = tpu.memref_slice %arg2[%add3A, %dma_wait3A_59, %dma_wait3A_60, %dma_wait3A_61] : memref<32x80x1x128xi32, #tpu.memory_space<hbm>> -> memref<1x80x1x128xi32, #tpu.memory_space<hbm>>
      %dma_wait3A_63 = tpu.memref_squeeze %dma_wait3A_62 : memref<1x80x1x128xi32, #tpu.memory_space<hbm>> -> memref<80x1x128xi32, #tpu.memory_space<hbm>>
      tpu.wait_dma2 semaphore(%run_scoped3A : memref<!tpu.dma_semaphore, #tpu.memory_space<semaphore_mem>>) src(%dma_wait3A_63 : memref<80x1x128xi32, #tpu.memory_space<hbm>>) dst(%arg6 : memref<80x1x128xi32, #tpu.memory_space<vmem>>)
      tpu.yield
    }) : () -> ()
    "tpu.region"() ({
      %run_scoped3A = tpu.sem_alloc : memref<!tpu.dma_semaphore, #tpu.memory_space<semaphore_mem>>
      %dma_start3A_45 = arith.constant 0 : i32
      %dma_start3A_46 = arith.constant 0 : i32
      %dma_start3A_47 = arith.constant 0 : i32
      %dma_start3A_48 = tpu.memref_slice %arg3[%add3A, %dma_start3A_45, %dma_start3A_46, %dma_start3A_47] : memref<32x80x1x128xi32, #tpu.memory_space<hbm>> -> memref<1x80x1x128xi32, #tpu.memory_space<hbm>>
      %dma_start3A_49 = tpu.memref_squeeze %dma_start3A_48 : memref<1x80x1x128xi32, #tpu.memory_space<hbm>> -> memref<80x1x128xi32, #tpu.memory_space<hbm>>
      %dma_start3A_50 = arith.constant 0 : i32
      %dma_start3A_51 = arith.constant 0 : i32
      %dma_start3A_52 = arith.constant 0 : i32
      %dma_start3A_53 = tpu.memref_slice %arg3[%add3A, %dma_start3A_50, %dma_start3A_51, %dma_start3A_52] : memref<32x80x1x128xi32, #tpu.memory_space<hbm>> -> memref<1x80x1x128xi32, #tpu.memory_space<hbm>>
      %dma_start3A_54 = tpu.memref_squeeze %dma_start3A_53 : memref<1x80x1x128xi32, #tpu.memory_space<hbm>> -> memref<80x1x128xi32, #tpu.memory_space<hbm>>
      tpu.enqueue_dma source(%dma_start3A_54 : memref<80x1x128xi32, #tpu.memory_space<hbm>>) target(%arg7 : memref<80x1x128xi32, #tpu.memory_space<vmem>>) target_semaphore(%run_scoped3A : memref<!tpu.dma_semaphore, #tpu.memory_space<semaphore_mem>>)
      %dma_wait3A = arith.constant 0 : i32
      %dma_wait3A_55 = arith.constant 0 : i32
      %dma_wait3A_56 = arith.constant 0 : i32
      %dma_wait3A_57 = tpu.memref_slice %arg3[%add3A, %dma_wait3A, %dma_wait3A_55, %dma_wait3A_56] : memref<32x80x1x128xi32, #tpu.memory_space<hbm>> -> memref<1x80x1x128xi32, #tpu.memory_space<hbm>>
      %dma_wait3A_58 = tpu.memref_squeeze %dma_wait3A_57 : memref<1x80x1x128xi32, #tpu.memory_space<hbm>> -> memref<80x1x128xi32, #tpu.memory_space<hbm>>
      %dma_wait3A_59 = arith.constant 0 : i32
      %dma_wait3A_60 = arith.constant 0 : i32
      %dma_wait3A_61 = arith.constant 0 : i32
      %dma_wait3A_62 = tpu.memref_slice %arg3[%add3A, %dma_wait3A_59, %dma_wait3A_60, %dma_wait3A_61] : memref<32x80x1x128xi32, #tpu.memory_space<hbm>> -> memref<1x80x1x128xi32, #tpu.memory_space<hbm>>
      %dma_wait3A_63 = tpu.memref_squeeze %dma_wait3A_62 : memref<1x80x1x128xi32, #tpu.memory_space<hbm>> -> memref<80x1x128xi32, #tpu.memory_space<hbm>>
      tpu.wait_dma2 semaphore(%run_scoped3A : memref<!tpu.dma_semaphore, #tpu.memory_space<semaphore_mem>>) src(%dma_wait3A_63 : memref<80x1x128xi32, #tpu.memory_space<hbm>>) dst(%arg7 : memref<80x1x128xi32, #tpu.memory_space<vmem>>)
      tpu.yield
    }) : () -> ()
    %lt3A = arith.constant 10 : i32
    %lt3A_1 = arith.cmpi slt, %arg1, %lt3A : i32
    %convert_element_type3A = arith.extui %lt3A_1 : i1 to i32
    %cond3A = arith.constant 0 : i32
    %cond3A_2 = arith.cmpi ne, %convert_element_type3A, %cond3A : i32
    scf.if %cond3A_2 {
      %mul3A_45 = arith.constant 1000 : i32
      %mul3A_46 = arith.muli %arg1, %mul3A_45 : i32
      %mul3A_47 = arith.constant 1000 : i32
      %mul3A_48 = arith.muli %arg1, %mul3A_47 : i32
      "tpu.region"() ({
        %run_scoped3A = tpu.sem_alloc : memref<!tpu.dma_semaphore, #tpu.memory_space<semaphore_mem>>
        %dma_start3A_57 = arith.constant 0 : i32
        %dma_start3A_58 = tpu.memref_slice %arg14[%mul3A_48, %dma_start3A_57] : memref<10008x16xf32, #tpu.memory_space<vmem_shared>> -> memref<1000x16xf32, #tpu.memory_space<vmem_shared>>
        %dma_start3A_59 = arith.constant 0 : i32
        %dma_start3A_60 = tpu.memref_slice %arg4[%mul3A_46, %dma_start3A_59] : memref<10008x16xf32, #tpu.memory_space<hbm>> -> memref<1000x16xf32, #tpu.memory_space<hbm>>
        tpu.enqueue_dma source(%dma_start3A_60 : memref<1000x16xf32, #tpu.memory_space<hbm>>) target(%dma_start3A_58 : memref<1000x16xf32, #tpu.memory_space<vmem_shared>>) target_semaphore(%run_scoped3A : memref<!tpu.dma_semaphore, #tpu.memory_space<semaphore_mem>>)
        %dma_wait3A = arith.constant 0 : i32
        %dma_wait3A_61 = tpu.memref_slice %arg14[%mul3A_48, %dma_wait3A] : memref<10008x16xf32, #tpu.memory_space<vmem_shared>> -> memref<1000x16xf32, #tpu.memory_space<vmem_shared>>
        %dma_wait3A_62 = arith.constant 0 : i32
        %dma_wait3A_63 = tpu.memref_slice %arg4[%mul3A_46, %dma_wait3A_62] : memref<10008x16xf32, #tpu.memory_space<hbm>> -> memref<1000x16xf32, #tpu.memory_space<hbm>>
        tpu.wait_dma2 semaphore(%run_scoped3A : memref<!tpu.dma_semaphore, #tpu.memory_space<semaphore_mem>>) src(%dma_wait3A_63 : memref<1000x16xf32, #tpu.memory_space<hbm>>) dst(%dma_wait3A_61 : memref<1000x16xf32, #tpu.memory_space<vmem_shared>>)
        tpu.yield
      }) : () -> ()
      %scan3A_49 = arith.constant 0 : i32
      %scan3A_50 = arith.constant 0 : i32
      %scan3A_51 = arith.constant 1000 : i32
      %scan3A_52 = arith.addi %scan3A_50, %scan3A_51 : i32
      %scan3A_53 = arith.constant 8 : i32
      scf.for %scan3A_57 = %scan3A_50 to %scan3A_52 step %scan3A_53  : i32 {
        %broadcast_in_dim3A = arith.constant 0.000000e+00 : f32
        %broadcast_in_dim3A_58 = vector.broadcast %broadcast_in_dim3A : f32 to vector<16xf32>
        %swap3A = arith.index_cast %scan3A_57 : i32 to index
        %swap3A_59 = arith.constant 0 : index
        %swap3A_60 = tpu.vector_load %arg12[%swap3A, %swap3A_59] {strides = array<i32>} : memref<1000x16xf32, #tpu.memory_space<vmem>>, vector<1x16xf32>,
        %swap3A_61 = vector.shape_cast %swap3A_60 : vector<1x16xf32> to vector<16xf32>
        %swap3A_62 = vector.shape_cast %broadcast_in_dim3A_58 : vector<16xf32> to vector<1x16xf32>
        tpu.vector_store %arg12[%swap3A, %swap3A_59], %swap3A_62 {strides = array<i32>} : memref<1000x16xf32, #tpu.memory_space<vmem>>, vector<1x16xf32>,
        %scan3A_63 = arith.constant 1 : i32
        %scan3A_64 = arith.addi %scan3A_57, %scan3A_63 : i32
        %broadcast_in_dim3A_65 = arith.constant 0.000000e+00 : f32
        %broadcast_in_dim3A_66 = vector.broadcast %broadcast_in_dim3A_65 : f32 to vector<16xf32>
        %swap3A_67 = arith.index_cast %scan3A_64 : i32 to index
        %swap3A_68 = arith.constant 0 : index
        %swap3A_69 = tpu.vector_load %arg12[%swap3A_67, %swap3A_68] {strides = array<i32>} : memref<1000x16xf32, #tpu.memory_space<vmem>>, vector<1x16xf32>,
        %swap3A_70 = vector.shape_cast %swap3A_69 : vector<1x16xf32> to vector<16xf32>
        %swap3A_71 = vector.shape_cast %broadcast_in_dim3A_66 : vector<16xf32> to vector<1x16xf32>
        tpu.vector_store %arg12[%swap3A_67, %swap3A_68], %swap3A_71 {strides = array<i32>} : memref<1000x16xf32, #tpu.memory_space<vmem>>, vector<1x16xf32>,
        %scan3A_72 = arith.constant 2 : i32
        %scan3A_73 = arith.addi %scan3A_57, %scan3A_72 : i32
        %broadcast_in_dim3A_74 = arith.constant 0.000000e+00 : f32
        %broadcast_in_dim3A_75 = vector.broadcast %broadcast_in_dim3A_74 : f32 to vector<16xf32>
        %swap3A_76 = arith.index_cast %scan3A_73 : i32 to index
        %swap3A_77 = arith.constant 0 : index
        %swap3A_78 = tpu.vector_load %arg12[%swap3A_76, %swap3A_77] {strides = array<i32>} : memref<1000x16xf32, #tpu.memory_space<vmem>>, vector<1x16xf32>,
        %swap3A_79 = vector.shape_cast %swap3A_78 : vector<1x16xf32> to vector<16xf32>
        %swap3A_80 = vector.shape_cast %broadcast_in_dim3A_75 : vector<16xf32> to vector<1x16xf32>
        tpu.vector_store %arg12[%swap3A_76, %swap3A_77], %swap3A_80 {strides = array<i32>} : memref<1000x16xf32, #tpu.memory_space<vmem>>, vector<1x16xf32>,
        %scan3A_81 = arith.constant 3 : i32
        %scan3A_82 = arith.addi %scan3A_57, %scan3A_81 : i32
        %broadcast_in_dim3A_83 = arith.constant 0.000000e+00 : f32
        %broadcast_in_dim3A_84 = vector.broadcast %broadcast_in_dim3A_83 : f32 to vector<16xf32>
        %swap3A_85 = arith.index_cast %scan3A_82 : i32 to index
        %swap3A_86 = arith.constant 0 : index
        %swap3A_87 = tpu.vector_load %arg12[%swap3A_85, %swap3A_86] {strides = array<i32>} : memref<1000x16xf32, #tpu.memory_space<vmem>>, vector<1x16xf32>,
        %swap3A_88 = vector.shape_cast %swap3A_87 : vector<1x16xf32> to vector<16xf32>
        %swap3A_89 = vector.shape_cast %broadcast_in_dim3A_84 : vector<16xf32> to vector<1x16xf32>
        tpu.vector_store %arg12[%swap3A_85, %swap3A_86], %swap3A_89 {strides = array<i32>} : memref<1000x16xf32, #tpu.memory_space<vmem>>, vector<1x16xf32>,
        %scan3A_90 = arith.constant 4 : i32
        %scan3A_91 = arith.addi %scan3A_57, %scan3A_90 : i32
        %broadcast_in_dim3A_92 = arith.constant 0.000000e+00 : f32
        %broadcast_in_dim3A_93 = vector.broadcast %broadcast_in_dim3A_92 : f32 to vector<16xf32>
        %swap3A_94 = arith.index_cast %scan3A_91 : i32 to index
        %swap3A_95 = arith.constant 0 : index
        %swap3A_96 = tpu.vector_load %arg12[%swap3A_94, %swap3A_95] {strides = array<i32>} : memref<1000x16xf32, #tpu.memory_space<vmem>>, vector<1x16xf32>,
        %swap3A_97 = vector.shape_cast %swap3A_96 : vector<1x16xf32> to vector<16xf32>
        %swap3A_98 = vector.shape_cast %broadcast_in_dim3A_93 : vector<16xf32> to vector<1x16xf32>
        tpu.vector_store %arg12[%swap3A_94, %swap3A_95], %swap3A_98 {strides = array<i32>} : memref<1000x16xf32, #tpu.memory_space<vmem>>, vector<1x16xf32>,
        %scan3A_99 = arith.constant 5 : i32
        %scan3A_100 = arith.addi %scan3A_57, %scan3A_99 : i32
        %broadcast_in_dim3A_101 = arith.constant 0.000000e+00 : f32
        %broadcast_in_dim3A_102 = vector.broadcast %broadcast_in_dim3A_101 : f32 to vector<16xf32>
        %swap3A_103 = arith.index_cast %scan3A_100 : i32 to index
        %swap3A_104 = arith.constant 0 : index
        %swap3A_105 = tpu.vector_load %arg12[%swap3A_103, %swap3A_104] {strides = array<i32>} : memref<1000x16xf32, #tpu.memory_space<vmem>>, vector<1x16xf32>,
        %swap3A_106 = vector.shape_cast %swap3A_105 : vector<1x16xf32> to vector<16xf32>
        %swap3A_107 = vector.shape_cast %broadcast_in_dim3A_102 : vector<16xf32> to vector<1x16xf32>
        tpu.vector_store %arg12[%swap3A_103, %swap3A_104], %swap3A_107 {strides = array<i32>} : memref<1000x16xf32, #tpu.memory_space<vmem>>, vector<1x16xf32>,
        %scan3A_108 = arith.constant 6 : i32
        %scan3A_109 = arith.addi %scan3A_57, %scan3A_108 : i32
        %broadcast_in_dim3A_110 = arith.constant 0.000000e+00 : f32
        %broadcast_in_dim3A_111 = vector.broadcast %broadcast_in_dim3A_110 : f32 to vector<16xf32>
        %swap3A_112 = arith.index_cast %scan3A_109 : i32 to index
        %swap3A_113 = arith.constant 0 : index
        %swap3A_114 = tpu.vector_load %arg12[%swap3A_112, %swap3A_113] {strides = array<i32>} : memref<1000x16xf32, #tpu.memory_space<vmem>>, vector<1x16xf32>,
        %swap3A_115 = vector.shape_cast %swap3A_114 : vector<1x16xf32> to vector<16xf32>
        %swap3A_116 = vector.shape_cast %broadcast_in_dim3A_111 : vector<16xf32> to vector<1x16xf32>
        tpu.vector_store %arg12[%swap3A_112, %swap3A_113], %swap3A_116 {strides = array<i32>} : memref<1000x16xf32, #tpu.memory_space<vmem>>, vector<1x16xf32>,
        %scan3A_117 = arith.constant 7 : i32
        %scan3A_118 = arith.addi %scan3A_57, %scan3A_117 : i32
        %broadcast_in_dim3A_119 = arith.constant 0.000000e+00 : f32
        %broadcast_in_dim3A_120 = vector.broadcast %broadcast_in_dim3A_119 : f32 to vector<16xf32>
        %swap3A_121 = arith.index_cast %scan3A_118 : i32 to index
        %swap3A_122 = arith.constant 0 : index
        %swap3A_123 = tpu.vector_load %arg12[%swap3A_121, %swap3A_122] {strides = array<i32>} : memref<1000x16xf32, #tpu.memory_space<vmem>>, vector<1x16xf32>,
        %swap3A_124 = vector.shape_cast %swap3A_123 : vector<1x16xf32> to vector<16xf32>
        %swap3A_125 = vector.shape_cast %broadcast_in_dim3A_120 : vector<16xf32> to vector<1x16xf32>
        tpu.vector_store %arg12[%swap3A_121, %swap3A_122], %swap3A_125 {strides = array<i32>} : memref<1000x16xf32, #tpu.memory_space<vmem>>, vector<1x16xf32>,
      }
      %scan3A_54 = arith.constant 1000 : i32
      %mul3A_55 = arith.constant 1000 : i32
      %mul3A_56 = arith.muli %arg1, %mul3A_55 : i32
      "tpu.region"() ({
        %run_scoped3A = tpu.sem_alloc : memref<!tpu.dma_semaphore, #tpu.memory_space<semaphore_mem>>
        %dma_start3A_57 = arith.constant 0 : i32
        %dma_start3A_58 = tpu.memref_slice %arg13[%mul3A_56, %dma_start3A_57] : memref<10008x16xf32, #tpu.memory_space<vmem_shared>> -> memref<1000x16xf32, #tpu.memory_space<vmem_shared>>
        %dma_start3A_59 = arith.constant 0 : i32
        %dma_start3A_60 = tpu.memref_slice %arg13[%mul3A_56, %dma_start3A_59] : memref<10008x16xf32, #tpu.memory_space<vmem_shared>> -> memref<1000x16xf32, #tpu.memory_space<vmem_shared>>
        tpu.enqueue_dma source(%arg12 : memref<1000x16xf32, #tpu.memory_space<vmem>>) target(%dma_start3A_60 : memref<1000x16xf32, #tpu.memory_space<vmem_shared>>) target_semaphore(%run_scoped3A : memref<!tpu.dma_semaphore, #tpu.memory_space<semaphore_mem>>)
        %dma_wait3A = arith.constant 0 : i32
        %dma_wait3A_61 = tpu.memref_slice %arg13[%mul3A_56, %dma_wait3A] : memref<10008x16xf32, #tpu.memory_space<vmem_shared>> -> memref<1000x16xf32, #tpu.memory_space<vmem_shared>>
        %dma_wait3A_62 = arith.constant 0 : i32
        %dma_wait3A_63 = tpu.memref_slice %arg13[%mul3A_56, %dma_wait3A_62] : memref<10008x16xf32, #tpu.memory_space<vmem_shared>> -> memref<1000x16xf32, #tpu.memory_space<vmem_shared>>
        tpu.wait_dma2 semaphore(%run_scoped3A : memref<!tpu.dma_semaphore, #tpu.memory_space<semaphore_mem>>) src(%arg12 : memref<1000x16xf32, #tpu.memory_space<vmem>>) dst(%dma_wait3A_63 : memref<1000x16xf32, #tpu.memory_space<vmem_shared>>)
        tpu.yield
      }) : () -> ()
    } else {
    }
    %barrier3A = arith.constant 0 : index
    tpu.barrier barrier_id(%barrier3A)
    %dma_start3A = arith.constant 0 : i32
    %dma_start3A_3 = arith.constant 0 : i32
    %dma_start3A_4 = arith.constant 0 : i32
    %dma_start3A_5 = tpu.memref_slice %arg6[%dma_start3A, %dma_start3A_3, %dma_start3A_4] : memref<80x1x128xi32, #tpu.memory_space<vmem>> -> memref<1x1x128xi32, #tpu.memory_space<vmem>>
    %dma_start3A_6 = tpu.memref_squeeze %dma_start3A_5 : memref<1x1x128xi32, #tpu.memory_space<vmem>> -> memref<128xi32, #tpu.memory_space<vmem>>
    %dma_start3A_7 = arith.constant 0 : i32
    %dma_start3A_8 = arith.constant 0 : i32
    %dma_start3A_9 = tpu.memref_slice %arg14[%dma_start3A_7, %dma_start3A_8] : memref<10008x16xf32, #tpu.memory_space<vmem_shared>> -> memref<10008x16xf32, #tpu.memory_space<vmem_shared>>
    tpu.enqueue_indirect_dma source(%dma_start3A_9 : memref<10008x16xf32, #tpu.memory_space<vmem_shared>>) target(%arg8 : memref<128x16xf32, #tpu.memory_space<vmem>>) offsets(%dma_start3A_6 : memref<128xi32, #tpu.memory_space<vmem>>) semaphore(%arg15 : memref<!tpu.dma_semaphore, #tpu.memory_space<semaphore_mem>>)
    %dma_start3A_10 = arith.constant 1 : i32
    %dma_start3A_11 = arith.constant 0 : i32
    %dma_start3A_12 = arith.constant 0 : i32
    %dma_start3A_13 = tpu.memref_slice %arg6[%dma_start3A_10, %dma_start3A_11, %dma_start3A_12] : memref<80x1x128xi32, #tpu.memory_space<vmem>> -> memref<1x1x128xi32, #tpu.memory_space<vmem>>
    %dma_start3A_14 = tpu.memref_squeeze %dma_start3A_13 : memref<1x1x128xi32, #tpu.memory_space<vmem>> -> memref<128xi32, #tpu.memory_space<vmem>>
    %dma_start3A_15 = arith.constant 0 : i32
    %dma_start3A_16 = arith.constant 0 : i32
    %dma_start3A_17 = tpu.memref_slice %arg14[%dma_start3A_15, %dma_start3A_16] : memref<10008x16xf32, #tpu.memory_space<vmem_shared>> -> memref<10008x16xf32, #tpu.memory_space<vmem_shared>>
    tpu.enqueue_indirect_dma source(%dma_start3A_17 : memref<10008x16xf32, #tpu.memory_space<vmem_shared>>) target(%arg9 : memref<128x16xf32, #tpu.memory_space<vmem>>) offsets(%dma_start3A_14 : memref<128xi32, #tpu.memory_space<vmem>>) semaphore(%arg16 : memref<!tpu.dma_semaphore, #tpu.memory_space<semaphore_mem>>)
    %dma_start3A_18 = arith.constant 2 : i32
    %dma_start3A_19 = arith.constant 0 : i32
    %dma_start3A_20 = arith.constant 0 : i32
    %dma_start3A_21 = tpu.memref_slice %arg6[%dma_start3A_18, %dma_start3A_19, %dma_start3A_20] : memref<80x1x128xi32, #tpu.memory_space<vmem>> -> memref<1x1x128xi32, #tpu.memory_space<vmem>>
    %dma_start3A_22 = tpu.memref_squeeze %dma_start3A_21 : memref<1x1x128xi32, #tpu.memory_space<vmem>> -> memref<128xi32, #tpu.memory_space<vmem>>
    %dma_start3A_23 = arith.constant 0 : i32
    %dma_start3A_24 = arith.constant 0 : i32
    %dma_start3A_25 = tpu.memref_slice %arg14[%dma_start3A_23, %dma_start3A_24] : memref<10008x16xf32, #tpu.memory_space<vmem_shared>> -> memref<10008x16xf32, #tpu.memory_space<vmem_shared>>
    tpu.enqueue_indirect_dma source(%dma_start3A_25 : memref<10008x16xf32, #tpu.memory_space<vmem_shared>>) target(%arg10 : memref<128x16xf32, #tpu.memory_space<vmem>>) offsets(%dma_start3A_22 : memref<128xi32, #tpu.memory_space<vmem>>) semaphore(%arg17 : memref<!tpu.dma_semaphore, #tpu.memory_space<semaphore_mem>>)
    %dma_start3A_26 = arith.constant 3 : i32
    %dma_start3A_27 = arith.constant 0 : i32
    %dma_start3A_28 = arith.constant 0 : i32
    %dma_start3A_29 = tpu.memref_slice %arg6[%dma_start3A_26, %dma_start3A_27, %dma_start3A_28] : memref<80x1x128xi32, #tpu.memory_space<vmem>> -> memref<1x1x128xi32, #tpu.memory_space<vmem>>
    %dma_start3A_30 = tpu.memref_squeeze %dma_start3A_29 : memref<1x1x128xi32, #tpu.memory_space<vmem>> -> memref<128xi32, #tpu.memory_space<vmem>>
    %dma_start3A_31 = arith.constant 0 : i32
    %dma_start3A_32 = arith.constant 0 : i32
    %dma_start3A_33 = tpu.memref_slice %arg14[%dma_start3A_31, %dma_start3A_32] : memref<10008x16xf32, #tpu.memory_space<vmem_shared>> -> memref<10008x16xf32, #tpu.memory_space<vmem_shared>>
    tpu.enqueue_indirect_dma source(%dma_start3A_33 : memref<10008x16xf32, #tpu.memory_space<vmem_shared>>) target(%arg11 : memref<128x16xf32, #tpu.memory_space<vmem>>) offsets(%dma_start3A_30 : memref<128xi32, #tpu.memory_space<vmem>>) semaphore(%arg18 : memref<!tpu.dma_semaphore, #tpu.memory_space<semaphore_mem>>)
    %scan3A = arith.constant 0 : i32
    %scan3A_34 = arith.constant 0 : i32
    %scan3A_35 = arith.constant 20 : i32
    %scan3A_36 = arith.addi %scan3A_34, %scan3A_35 : i32
    %scan3A_37 = arith.constant 1 : i32
    scf.for %scan3A_45 = %scan3A_34 to %scan3A_36 step %scan3A_37  : i32 {
      %mul3A_46 = arith.constant 4 : i32
      %mul3A_47 = arith.muli %mul3A_46, %scan3A_45 : i32
      %add3A_48 = arith.constant 0 : i32
      %add3A_49 = arith.addi %mul3A_47, %add3A_48 : i32
      %dma_wait3A = arith.constant 0 : i32
      %dma_wait3A_50 = arith.constant 0 : i32
      %dma_wait3A_51 = arith.constant 0 : i32
      %dma_wait3A_52 = tpu.memref_slice %arg6[%dma_wait3A, %dma_wait3A_50, %dma_wait3A_51] : memref<80x1x128xi32, #tpu.memory_space<vmem>> -> memref<1x1x128xi32, #tpu.memory_space<vmem>>
      %dma_wait3A_53 = tpu.memref_squeeze %dma_wait3A_52 : memref<1x1x128xi32, #tpu.memory_space<vmem>> -> memref<128xi32, #tpu.memory_space<vmem>>
      %dma_wait3A_54 = arith.constant 0 : i32
      %dma_wait3A_55 = arith.constant 0 : i32
      %dma_wait3A_56 = tpu.memref_slice %arg14[%dma_wait3A_54, %dma_wait3A_55] : memref<10008x16xf32, #tpu.memory_space<vmem_shared>> -> memref<10008x16xf32, #tpu.memory_space<vmem_shared>>
      tpu.wait_indirect_dma semaphore(%arg15 : memref<!tpu.dma_semaphore, #tpu.memory_space<semaphore_mem>>) src(%dma_wait3A_56 : memref<10008x16xf32, #tpu.memory_space<vmem_shared>>) dst(%arg8 : memref<128x16xf32, #tpu.memory_space<vmem>>)
      %run_scoped3A = arith.constant 0 : i32
      "tpu.region"() ({
        %run_scoped3A_124 = tpu.sem_alloc : memref<!tpu.dma_semaphore, #tpu.memory_space<semaphore_mem>>
        %dma_start3A_125 = arith.constant 0 : i32
        %dma_start3A_126 = tpu.memref_slice %arg7[%add3A_49, %run_scoped3A, %dma_start3A_125] : memref<80x1x128xi32, #tpu.memory_space<vmem>> -> memref<1x1x128xi32, #tpu.memory_space<vmem>>
        %dma_start3A_127 = tpu.memref_squeeze %dma_start3A_126 : memref<1x1x128xi32, #tpu.memory_space<vmem>> -> memref<128xi32, #tpu.memory_space<vmem>>
        %dma_start3A_128 = arith.constant 0 : i32
        %dma_start3A_129 = arith.constant 0 : i32
        %dma_start3A_130 = tpu.memref_slice %arg13[%dma_start3A_128, %dma_start3A_129] : memref<10008x16xf32, #tpu.memory_space<vmem_shared>> -> memref<10008x16xf32, #tpu.memory_space<vmem_shared>>
        tpu.enqueue_indirect_dma source(%arg8 : memref<128x16xf32, #tpu.memory_space<vmem>>) target(%dma_start3A_130 : memref<10008x16xf32, #tpu.memory_space<vmem_shared>>) offsets(%dma_start3A_127 : memref<128xi32, #tpu.memory_space<vmem>>) semaphore(%run_scoped3A_124 : memref<!tpu.dma_semaphore, #tpu.memory_space<semaphore_mem>>) {add = true}
        %dma_wait3A_131 = arith.constant 0 : i32
        %dma_wait3A_132 = tpu.memref_slice %arg7[%add3A_49, %run_scoped3A, %dma_wait3A_131] : memref<80x1x128xi32, #tpu.memory_space<vmem>> -> memref<1x1x128xi32, #tpu.memory_space<vmem>>
        %dma_wait3A_133 = tpu.memref_squeeze %dma_wait3A_132 : memref<1x1x128xi32, #tpu.memory_space<vmem>> -> memref<128xi32, #tpu.memory_space<vmem>>
        %dma_wait3A_134 = arith.constant 0 : i32
        %dma_wait3A_135 = arith.constant 0 : i32
        %dma_wait3A_136 = tpu.memref_slice %arg13[%dma_wait3A_134, %dma_wait3A_135] : memref<10008x16xf32, #tpu.memory_space<vmem_shared>> -> memref<10008x16xf32, #tpu.memory_space<vmem_shared>>
        tpu.wait_indirect_dma semaphore(%run_scoped3A_124 : memref<!tpu.dma_semaphore, #tpu.memory_space<semaphore_mem>>) src(%arg8 : memref<128x16xf32, #tpu.memory_space<vmem>>) dst(%dma_wait3A_136 : memref<10008x16xf32, #tpu.memory_space<vmem_shared>>)
        tpu.yield
      }) : () -> ()
      %add3A_57 = arith.constant 4 : i32
      %add3A_58 = arith.addi %add3A_49, %add3A_57 : i32
      %lt3A_59 = arith.constant 80 : i32
      %lt3A_60 = arith.cmpi slt, %add3A_58, %lt3A_59 : i32
      %convert_element_type3A_61 = arith.extui %lt3A_60 : i1 to i32
      %cond3A_62 = arith.constant 0 : i32
      %cond3A_63 = arith.cmpi ne, %convert_element_type3A_61, %cond3A_62 : i32
      scf.if %cond3A_63 {
        %add3A_124 = arith.constant 4 : i32
        %add3A_125 = arith.addi %add3A_49, %add3A_124 : i32
        %dma_start3A_126 = arith.constant 0 : i32
        %dma_start3A_127 = arith.constant 0 : i32
        %dma_start3A_128 = tpu.memref_slice %arg6[%add3A_125, %dma_start3A_126, %dma_start3A_127] : memref<80x1x128xi32, #tpu.memory_space<vmem>> -> memref<1x1x128xi32, #tpu.memory_space<vmem>>
        %dma_start3A_129 = tpu.memref_squeeze %dma_start3A_128 : memref<1x1x128xi32, #tpu.memory_space<vmem>> -> memref<128xi32, #tpu.memory_space<vmem>>
        %dma_start3A_130 = arith.constant 0 : i32
        %dma_start3A_131 = arith.constant 0 : i32
        %dma_start3A_132 = tpu.memref_slice %arg14[%dma_start3A_130, %dma_start3A_131] : memref<10008x16xf32, #tpu.memory_space<vmem_shared>> -> memref<10008x16xf32, #tpu.memory_space<vmem_shared>>
        tpu.enqueue_indirect_dma source(%dma_start3A_132 : memref<10008x16xf32, #tpu.memory_space<vmem_shared>>) target(%arg8 : memref<128x16xf32, #tpu.memory_space<vmem>>) offsets(%dma_start3A_129 : memref<128xi32, #tpu.memory_space<vmem>>) semaphore(%arg15 : memref<!tpu.dma_semaphore, #tpu.memory_space<semaphore_mem>>)
      } else {
      }
      %mul3A_64 = arith.constant 4 : i32
      %mul3A_65 = arith.muli %mul3A_64, %scan3A_45 : i32
      %add3A_66 = arith.constant 1 : i32
      %add3A_67 = arith.addi %mul3A_65, %add3A_66 : i32
      %dma_wait3A_68 = arith.constant 0 : i32
      %dma_wait3A_69 = arith.constant 0 : i32
      %dma_wait3A_70 = arith.constant 0 : i32
      %dma_wait3A_71 = tpu.memref_slice %arg6[%dma_wait3A_68, %dma_wait3A_69, %dma_wait3A_70] : memref<80x1x128xi32, #tpu.memory_space<vmem>> -> memref<1x1x128xi32, #tpu.memory_space<vmem>>
      %dma_wait3A_72 = tpu.memref_squeeze %dma_wait3A_71 : memref<1x1x128xi32, #tpu.memory_space<vmem>> -> memref<128xi32, #tpu.memory_space<vmem>>
      %dma_wait3A_73 = arith.constant 0 : i32
      %dma_wait3A_74 = arith.constant 0 : i32
      %dma_wait3A_75 = tpu.memref_slice %arg14[%dma_wait3A_73, %dma_wait3A_74] : memref<10008x16xf32, #tpu.memory_space<vmem_shared>> -> memref<10008x16xf32, #tpu.memory_space<vmem_shared>>
      tpu.wait_indirect_dma semaphore(%arg16 : memref<!tpu.dma_semaphore, #tpu.memory_space<semaphore_mem>>) src(%dma_wait3A_75 : memref<10008x16xf32, #tpu.memory_space<vmem_shared>>) dst(%arg9 : memref<128x16xf32, #tpu.memory_space<vmem>>)
      %run_scoped3A_76 = arith.constant 0 : i32
      "tpu.region"() ({
        %run_scoped3A_124 = tpu.sem_alloc : memref<!tpu.dma_semaphore, #tpu.memory_space<semaphore_mem>>
        %dma_start3A_125 = arith.constant 0 : i32
        %dma_start3A_126 = tpu.memref_slice %arg7[%add3A_67, %run_scoped3A_76, %dma_start3A_125] : memref<80x1x128xi32, #tpu.memory_space<vmem>> -> memref<1x1x128xi32, #tpu.memory_space<vmem>>
        %dma_start3A_127 = tpu.memref_squeeze %dma_start3A_126 : memref<1x1x128xi32, #tpu.memory_space<vmem>> -> memref<128xi32, #tpu.memory_space<vmem>>
        %dma_start3A_128 = arith.constant 0 : i32
        %dma_start3A_129 = arith.constant 0 : i32
        %dma_start3A_130 = tpu.memref_slice %arg13[%dma_start3A_128, %dma_start3A_129] : memref<10008x16xf32, #tpu.memory_space<vmem_shared>> -> memref<10008x16xf32, #tpu.memory_space<vmem_shared>>
        tpu.enqueue_indirect_dma source(%arg9 : memref<128x16xf32, #tpu.memory_space<vmem>>) target(%dma_start3A_130 : memref<10008x16xf32, #tpu.memory_space<vmem_shared>>) offsets(%dma_start3A_127 : memref<128xi32, #tpu.memory_space<vmem>>) semaphore(%run_scoped3A_124 : memref<!tpu.dma_semaphore, #tpu.memory_space<semaphore_mem>>) {add = true}
        %dma_wait3A_131 = arith.constant 0 : i32
        %dma_wait3A_132 = tpu.memref_slice %arg7[%add3A_67, %run_scoped3A_76, %dma_wait3A_131] : memref<80x1x128xi32, #tpu.memory_space<vmem>> -> memref<1x1x128xi32, #tpu.memory_space<vmem>>
        %dma_wait3A_133 = tpu.memref_squeeze %dma_wait3A_132 : memref<1x1x128xi32, #tpu.memory_space<vmem>> -> memref<128xi32, #tpu.memory_space<vmem>>
        %dma_wait3A_134 = arith.constant 0 : i32
        %dma_wait3A_135 = arith.constant 0 : i32
        %dma_wait3A_136 = tpu.memref_slice %arg13[%dma_wait3A_134, %dma_wait3A_135] : memref<10008x16xf32, #tpu.memory_space<vmem_shared>> -> memref<10008x16xf32, #tpu.memory_space<vmem_shared>>
        tpu.wait_indirect_dma semaphore(%run_scoped3A_124 : memref<!tpu.dma_semaphore, #tpu.memory_space<semaphore_mem>>) src(%arg9 : memref<128x16xf32, #tpu.memory_space<vmem>>) dst(%dma_wait3A_136 : memref<10008x16xf32, #tpu.memory_space<vmem_shared>>)
        tpu.yield
      }) : () -> ()
      %add3A_77 = arith.constant 4 : i32
      %add3A_78 = arith.addi %add3A_67, %add3A_77 : i32
      %lt3A_79 = arith.constant 80 : i32
      %lt3A_80 = arith.cmpi slt, %add3A_78, %lt3A_79 : i32
      %convert_element_type3A_81 = arith.extui %lt3A_80 : i1 to i32
      %cond3A_82 = arith.constant 0 : i32
      %cond3A_83 = arith.cmpi ne, %convert_element_type3A_81, %cond3A_82 : i32
      scf.if %cond3A_83 {
        %add3A_124 = arith.constant 4 : i32
        %add3A_125 = arith.addi %add3A_67, %add3A_124 : i32
        %dma_start3A_126 = arith.constant 0 : i32
        %dma_start3A_127 = arith.constant 0 : i32
        %dma_start3A_128 = tpu.memref_slice %arg6[%add3A_125, %dma_start3A_126, %dma_start3A_127] : memref<80x1x128xi32, #tpu.memory_space<vmem>> -> memref<1x1x128xi32, #tpu.memory_space<vmem>>
        %dma_start3A_129 = tpu.memref_squeeze %dma_start3A_128 : memref<1x1x128xi32, #tpu.memory_space<vmem>> -> memref<128xi32, #tpu.memory_space<vmem>>
        %dma_start3A_130 = arith.constant 0 : i32
        %dma_start3A_131 = arith.constant 0 : i32
        %dma_start3A_132 = tpu.memref_slice %arg14[%dma_start3A_130, %dma_start3A_131] : memref<10008x16xf32, #tpu.memory_space<vmem_shared>> -> memref<10008x16xf32, #tpu.memory_space<vmem_shared>>
        tpu.enqueue_indirect_dma source(%dma_start3A_132 : memref<10008x16xf32, #tpu.memory_space<vmem_shared>>) target(%arg9 : memref<128x16xf32, #tpu.memory_space<vmem>>) offsets(%dma_start3A_129 : memref<128xi32, #tpu.memory_space<vmem>>) semaphore(%arg16 : memref<!tpu.dma_semaphore, #tpu.memory_space<semaphore_mem>>)
      } else {
      }
      %mul3A_84 = arith.constant 4 : i32
      %mul3A_85 = arith.muli %mul3A_84, %scan3A_45 : i32
      %add3A_86 = arith.constant 2 : i32
      %add3A_87 = arith.addi %mul3A_85, %add3A_86 : i32
      %dma_wait3A_88 = arith.constant 0 : i32
      %dma_wait3A_89 = arith.constant 0 : i32
      %dma_wait3A_90 = arith.constant 0 : i32
      %dma_wait3A_91 = tpu.memref_slice %arg6[%dma_wait3A_88, %dma_wait3A_89, %dma_wait3A_90] : memref<80x1x128xi32, #tpu.memory_space<vmem>> -> memref<1x1x128xi32, #tpu.memory_space<vmem>>
      %dma_wait3A_92 = tpu.memref_squeeze %dma_wait3A_91 : memref<1x1x128xi32, #tpu.memory_space<vmem>> -> memref<128xi32, #tpu.memory_space<vmem>>
      %dma_wait3A_93 = arith.constant 0 : i32
      %dma_wait3A_94 = arith.constant 0 : i32
      %dma_wait3A_95 = tpu.memref_slice %arg14[%dma_wait3A_93, %dma_wait3A_94] : memref<10008x16xf32, #tpu.memory_space<vmem_shared>> -> memref<10008x16xf32, #tpu.memory_space<vmem_shared>>
      tpu.wait_indirect_dma semaphore(%arg17 : memref<!tpu.dma_semaphore, #tpu.memory_space<semaphore_mem>>) src(%dma_wait3A_95 : memref<10008x16xf32, #tpu.memory_space<vmem_shared>>) dst(%arg10 : memref<128x16xf32, #tpu.memory_space<vmem>>)
      %run_scoped3A_96 = arith.constant 0 : i32
      "tpu.region"() ({
        %run_scoped3A_124 = tpu.sem_alloc : memref<!tpu.dma_semaphore, #tpu.memory_space<semaphore_mem>>
        %dma_start3A_125 = arith.constant 0 : i32
        %dma_start3A_126 = tpu.memref_slice %arg7[%add3A_87, %run_scoped3A_96, %dma_start3A_125] : memref<80x1x128xi32, #tpu.memory_space<vmem>> -> memref<1x1x128xi32, #tpu.memory_space<vmem>>
        %dma_start3A_127 = tpu.memref_squeeze %dma_start3A_126 : memref<1x1x128xi32, #tpu.memory_space<vmem>> -> memref<128xi32, #tpu.memory_space<vmem>>
        %dma_start3A_128 = arith.constant 0 : i32
        %dma_start3A_129 = arith.constant 0 : i32
        %dma_start3A_130 = tpu.memref_slice %arg13[%dma_start3A_128, %dma_start3A_129] : memref<10008x16xf32, #tpu.memory_space<vmem_shared>> -> memref<10008x16xf32, #tpu.memory_space<vmem_shared>>
        tpu.enqueue_indirect_dma source(%arg10 : memref<128x16xf32, #tpu.memory_space<vmem>>) target(%dma_start3A_130 : memref<10008x16xf32, #tpu.memory_space<vmem_shared>>) offsets(%dma_start3A_127 : memref<128xi32, #tpu.memory_space<vmem>>) semaphore(%run_scoped3A_124 : memref<!tpu.dma_semaphore, #tpu.memory_space<semaphore_mem>>) {add = true}
        %dma_wait3A_131 = arith.constant 0 : i32
        %dma_wait3A_132 = tpu.memref_slice %arg7[%add3A_87, %run_scoped3A_96, %dma_wait3A_131] : memref<80x1x128xi32, #tpu.memory_space<vmem>> -> memref<1x1x128xi32, #tpu.memory_space<vmem>>
        %dma_wait3A_133 = tpu.memref_squeeze %dma_wait3A_132 : memref<1x1x128xi32, #tpu.memory_space<vmem>> -> memref<128xi32, #tpu.memory_space<vmem>>
        %dma_wait3A_134 = arith.constant 0 : i32
        %dma_wait3A_135 = arith.constant 0 : i32
        %dma_wait3A_136 = tpu.memref_slice %arg13[%dma_wait3A_134, %dma_wait3A_135] : memref<10008x16xf32, #tpu.memory_space<vmem_shared>> -> memref<10008x16xf32, #tpu.memory_space<vmem_shared>>
        tpu.wait_indirect_dma semaphore(%run_scoped3A_124 : memref<!tpu.dma_semaphore, #tpu.memory_space<semaphore_mem>>) src(%arg10 : memref<128x16xf32, #tpu.memory_space<vmem>>) dst(%dma_wait3A_136 : memref<10008x16xf32, #tpu.memory_space<vmem_shared>>)
        tpu.yield
      }) : () -> ()
      %add3A_97 = arith.constant 4 : i32
      %add3A_98 = arith.addi %add3A_87, %add3A_97 : i32
      %lt3A_99 = arith.constant 80 : i32
      %lt3A_100 = arith.cmpi slt, %add3A_98, %lt3A_99 : i32
      %convert_element_type3A_101 = arith.extui %lt3A_100 : i1 to i32
      %cond3A_102 = arith.constant 0 : i32
      %cond3A_103 = arith.cmpi ne, %convert_element_type3A_101, %cond3A_102 : i32
      scf.if %cond3A_103 {
        %add3A_124 = arith.constant 4 : i32
        %add3A_125 = arith.addi %add3A_87, %add3A_124 : i32
        %dma_start3A_126 = arith.constant 0 : i32
        %dma_start3A_127 = arith.constant 0 : i32
        %dma_start3A_128 = tpu.memref_slice %arg6[%add3A_125, %dma_start3A_126, %dma_start3A_127] : memref<80x1x128xi32, #tpu.memory_space<vmem>> -> memref<1x1x128xi32, #tpu.memory_space<vmem>>
        %dma_start3A_129 = tpu.memref_squeeze %dma_start3A_128 : memref<1x1x128xi32, #tpu.memory_space<vmem>> -> memref<128xi32, #tpu.memory_space<vmem>>
        %dma_start3A_130 = arith.constant 0 : i32
        %dma_start3A_131 = arith.constant 0 : i32
        %dma_start3A_132 = tpu.memref_slice %arg14[%dma_start3A_130, %dma_start3A_131] : memref<10008x16xf32, #tpu.memory_space<vmem_shared>> -> memref<10008x16xf32, #tpu.memory_space<vmem_shared>>
        tpu.enqueue_indirect_dma source(%dma_start3A_132 : memref<10008x16xf32, #tpu.memory_space<vmem_shared>>) target(%arg10 : memref<128x16xf32, #tpu.memory_space<vmem>>) offsets(%dma_start3A_129 : memref<128xi32, #tpu.memory_space<vmem>>) semaphore(%arg17 : memref<!tpu.dma_semaphore, #tpu.memory_space<semaphore_mem>>)
      } else {
      }
      %mul3A_104 = arith.constant 4 : i32
      %mul3A_105 = arith.muli %mul3A_104, %scan3A_45 : i32
      %add3A_106 = arith.constant 3 : i32
      %add3A_107 = arith.addi %mul3A_105, %add3A_106 : i32
      %dma_wait3A_108 = arith.constant 0 : i32
      %dma_wait3A_109 = arith.constant 0 : i32
      %dma_wait3A_110 = arith.constant 0 : i32
      %dma_wait3A_111 = tpu.memref_slice %arg6[%dma_wait3A_108, %dma_wait3A_109, %dma_wait3A_110] : memref<80x1x128xi32, #tpu.memory_space<vmem>> -> memref<1x1x128xi32, #tpu.memory_space<vmem>>
      %dma_wait3A_112 = tpu.memref_squeeze %dma_wait3A_111 : memref<1x1x128xi32, #tpu.memory_space<vmem>> -> memref<128xi32, #tpu.memory_space<vmem>>
      %dma_wait3A_113 = arith.constant 0 : i32
      %dma_wait3A_114 = arith.constant 0 : i32
      %dma_wait3A_115 = tpu.memref_slice %arg14[%dma_wait3A_113, %dma_wait3A_114] : memref<10008x16xf32, #tpu.memory_space<vmem_shared>> -> memref<10008x16xf32, #tpu.memory_space<vmem_shared>>
      tpu.wait_indirect_dma semaphore(%arg18 : memref<!tpu.dma_semaphore, #tpu.memory_space<semaphore_mem>>) src(%dma_wait3A_115 : memref<10008x16xf32, #tpu.memory_space<vmem_shared>>) dst(%arg11 : memref<128x16xf32, #tpu.memory_space<vmem>>)
      %run_scoped3A_116 = arith.constant 0 : i32
      "tpu.region"() ({
        %run_scoped3A_124 = tpu.sem_alloc : memref<!tpu.dma_semaphore, #tpu.memory_space<semaphore_mem>>
        %dma_start3A_125 = arith.constant 0 : i32
        %dma_start3A_126 = tpu.memref_slice %arg7[%add3A_107, %run_scoped3A_116, %dma_start3A_125] : memref<80x1x128xi32, #tpu.memory_space<vmem>> -> memref<1x1x128xi32, #tpu.memory_space<vmem>>
        %dma_start3A_127 = tpu.memref_squeeze %dma_start3A_126 : memref<1x1x128xi32, #tpu.memory_space<vmem>> -> memref<128xi32, #tpu.memory_space<vmem>>
        %dma_start3A_128 = arith.constant 0 : i32
        %dma_start3A_129 = arith.constant 0 : i32
        %dma_start3A_130 = tpu.memref_slice %arg13[%dma_start3A_128, %dma_start3A_129] : memref<10008x16xf32, #tpu.memory_space<vmem_shared>> -> memref<10008x16xf32, #tpu.memory_space<vmem_shared>>
        tpu.enqueue_indirect_dma source(%arg11 : memref<128x16xf32, #tpu.memory_space<vmem>>) target(%dma_start3A_130 : memref<10008x16xf32, #tpu.memory_space<vmem_shared>>) offsets(%dma_start3A_127 : memref<128xi32, #tpu.memory_space<vmem>>) semaphore(%run_scoped3A_124 : memref<!tpu.dma_semaphore, #tpu.memory_space<semaphore_mem>>) {add = true}
        %dma_wait3A_131 = arith.constant 0 : i32
        %dma_wait3A_132 = tpu.memref_slice %arg7[%add3A_107, %run_scoped3A_116, %dma_wait3A_131] : memref<80x1x128xi32, #tpu.memory_space<vmem>> -> memref<1x1x128xi32, #tpu.memory_space<vmem>>
        %dma_wait3A_133 = tpu.memref_squeeze %dma_wait3A_132 : memref<1x1x128xi32, #tpu.memory_space<vmem>> -> memref<128xi32, #tpu.memory_space<vmem>>
        %dma_wait3A_134 = arith.constant 0 : i32
        %dma_wait3A_135 = arith.constant 0 : i32
        %dma_wait3A_136 = tpu.memref_slice %arg13[%dma_wait3A_134, %dma_wait3A_135] : memref<10008x16xf32, #tpu.memory_space<vmem_shared>> -> memref<10008x16xf32, #tpu.memory_space<vmem_shared>>
        tpu.wait_indirect_dma semaphore(%run_scoped3A_124 : memref<!tpu.dma_semaphore, #tpu.memory_space<semaphore_mem>>) src(%arg11 : memref<128x16xf32, #tpu.memory_space<vmem>>) dst(%dma_wait3A_136 : memref<10008x16xf32, #tpu.memory_space<vmem_shared>>)
        tpu.yield
      }) : () -> ()
      %add3A_117 = arith.constant 4 : i32
      %add3A_118 = arith.addi %add3A_107, %add3A_117 : i32
      %lt3A_119 = arith.constant 80 : i32
      %lt3A_120 = arith.cmpi slt, %add3A_118, %lt3A_119 : i32
      %convert_element_type3A_121 = arith.extui %lt3A_120 : i1 to i32
      %cond3A_122 = arith.constant 0 : i32
      %cond3A_123 = arith.cmpi ne, %convert_element_type3A_121, %cond3A_122 : i32
      scf.if %cond3A_123 {
        %add3A_124 = arith.constant 4 : i32
        %add3A_125 = arith.addi %add3A_107, %add3A_124 : i32
        %dma_start3A_126 = arith.constant 0 : i32
        %dma_start3A_127 = arith.constant 0 : i32
        %dma_start3A_128 = tpu.memref_slice %arg6[%add3A_125, %dma_start3A_126, %dma_start3A_127] : memref<80x1x128xi32, #tpu.memory_space<vmem>> -> memref<1x1x128xi32, #tpu.memory_space<vmem>>
        %dma_start3A_129 = tpu.memref_squeeze %dma_start3A_128 : memref<1x1x128xi32, #tpu.memory_space<vmem>> -> memref<128xi32, #tpu.memory_space<vmem>>
        %dma_start3A_130 = arith.constant 0 : i32
        %dma_start3A_131 = arith.constant 0 : i32
        %dma_start3A_132 = tpu.memref_slice %arg14[%dma_start3A_130, %dma_start3A_131] : memref<10008x16xf32, #tpu.memory_space<vmem_shared>> -> memref<10008x16xf32, #tpu.memory_space<vmem_shared>>
        tpu.enqueue_indirect_dma source(%dma_start3A_132 : memref<10008x16xf32, #tpu.memory_space<vmem_shared>>) target(%arg11 : memref<128x16xf32, #tpu.memory_space<vmem>>) offsets(%dma_start3A_129 : memref<128xi32, #tpu.memory_space<vmem>>) semaphore(%arg18 : memref<!tpu.dma_semaphore, #tpu.memory_space<semaphore_mem>>)
      } else {
      }
    }
    %scan3A_38 = arith.constant 20 : i32
    %barrier3A_39 = arith.constant 0 : index
    tpu.barrier barrier_id(%barrier3A_39)
    %lt3A_40 = arith.constant 10 : i32
    %lt3A_41 = arith.cmpi slt, %arg1, %lt3A_40 : i32
    %convert_element_type3A_42 = arith.extui %lt3A_41 : i1 to i32
    %cond3A_43 = arith.constant 0 : i32
    %cond3A_44 = arith.cmpi ne, %convert_element_type3A_42, %cond3A_43 : i32
    scf.if %cond3A_44 {
      %mul3A_45 = arith.constant 1000 : i32
      %mul3A_46 = arith.muli %arg1, %mul3A_45 : i32
      %mul3A_47 = arith.constant 1000 : i32
      %mul3A_48 = arith.muli %arg1, %mul3A_47 : i32
      "tpu.region"() ({
        %run_scoped3A = tpu.sem_alloc : memref<!tpu.dma_semaphore, #tpu.memory_space<semaphore_mem>>
        %dma_start3A_49 = arith.constant 0 : i32
        %dma_start3A_50 = tpu.memref_slice %arg5[%arg0, %mul3A_48, %dma_start3A_49] : memref<2x10000x16xf32, #tpu.memory_space<hbm>> -> memref<1x1000x16xf32, #tpu.memory_space<hbm>>
        %dma_start3A_51 = tpu.memref_squeeze %dma_start3A_50 : memref<1x1000x16xf32, #tpu.memory_space<hbm>> -> memref<1000x16xf32, #tpu.memory_space<hbm>>
        %dma_start3A_52 = arith.constant 0 : i32
        %dma_start3A_53 = tpu.memref_slice %arg13[%mul3A_46, %dma_start3A_52] : memref<10008x16xf32, #tpu.memory_space<vmem_shared>> -> memref<1000x16xf32, #tpu.memory_space<vmem_shared>>
        tpu.enqueue_dma source(%dma_start3A_53 : memref<1000x16xf32, #tpu.memory_space<vmem_shared>>) target(%dma_start3A_51 : memref<1000x16xf32, #tpu.memory_space<hbm>>) target_semaphore(%run_scoped3A : memref<!tpu.dma_semaphore, #tpu.memory_space<semaphore_mem>>)
        %dma_wait3A = arith.constant 0 : i32
        %dma_wait3A_54 = tpu.memref_slice %arg5[%arg0, %mul3A_48, %dma_wait3A] : memref<2x10000x16xf32, #tpu.memory_space<hbm>> -> memref<1x1000x16xf32, #tpu.memory_space<hbm>>
        %dma_wait3A_55 = tpu.memref_squeeze %dma_wait3A_54 : memref<1x1000x16xf32, #tpu.memory_space<hbm>> -> memref<1000x16xf32, #tpu.memory_space<hbm>>
        %dma_wait3A_56 = arith.constant 0 : i32
        %dma_wait3A_57 = tpu.memref_slice %arg13[%mul3A_46, %dma_wait3A_56] : memref<10008x16xf32, #tpu.memory_space<vmem_shared>> -> memref<1000x16xf32, #tpu.memory_space<vmem_shared>>
        tpu.wait_dma2 semaphore(%run_scoped3A : memref<!tpu.dma_semaphore, #tpu.memory_space<semaphore_mem>>) src(%dma_wait3A_57 : memref<1000x16xf32, #tpu.memory_space<vmem_shared>>) dst(%dma_wait3A_55 : memref<1000x16xf32, #tpu.memory_space<hbm>>)
        tpu.yield
      }) : () -> ()
    } else {
    }
    return
  }
}

#map = affine_map<(d0, d1) -> (0, 0, 0, 0)>
#map1 = affine_map<(d0, d1) -> (0, 0)>
#map2 = affine_map<(d0, d1) -> (0, 0, 0)>
module attributes {stable_mosaic.version = 14 : i64} {
  func.func @_sc_body(%arg0: i32, %arg1: i32, %arg2: memref<32x80x1x128xi32, #tpu.memory_space<hbm>>, %arg3: memref<32x80x1x128xi32, #tpu.memory_space<hbm>>, %arg4: memref<10008x16xf32, #tpu.memory_space<hbm>>, %arg5: memref<2x10000x16xf32, #tpu.memory_space<hbm>>, %arg6: memref<80x1x128xi32, #tpu.memory_space<vmem>>, %arg7: memref<80x1x128xi32, #tpu.memory_space<vmem>>, %arg8: memref<128x16xf32, #tpu.memory_space<vmem>>, %arg9: memref<128x16xf32, #tpu.memory_space<vmem>>, %arg10: memref<128x16xf32, #tpu.memory_space<vmem>>, %arg11: memref<128x16xf32, #tpu.memory_space<vmem>>, %arg12: memref<1000x16xf32, #tpu.memory_space<vmem>>, %arg13: memref<10008x16xf32, #tpu.memory_space<vmem_shared>>, %arg14: memref<10008x16xf32, #tpu.memory_space<vmem_shared>>, %arg15: memref<!tpu.dma_semaphore, #tpu.memory_space<semaphore_mem>>, %arg16: memref<!tpu.dma_semaphore, #tpu.memory_space<semaphore_mem>>, %arg17: memref<!tpu.dma_semaphore, #tpu.memory_space<semaphore_mem>>, %arg18: memref<!tpu.dma_semaphore, #tpu.memory_space<semaphore_mem>>) attributes {dimension_semantics = [#tpu.dimension_semantics<core_parallel>, #tpu.dimension_semantics<subcore_parallel>], iteration_bounds = array<i64: 2, 16>, scalar_prefetch = 0 : i64, scratch_operands = 13 : i64, tpu.core_type = #tpu.core_type<sc_vector_subcore>, window_params = [{transform_indices = #map}, {transform_indices = #map}, {transform_indices = #map1}, {transform_indices = #map2}]} {
    %mul3A = arith.constant 16 : i32
    %mul3A_0 = arith.muli %arg0, %mul3A : i32
    %add3A = arith.addi %mul3A_0, %arg1 : i32
    "tpu.region"() ({
      %run_scoped3A = tpu.sem_alloc : memref<!tpu.dma_semaphore, #tpu.memory_space<semaphore_mem>>
      %dma_start3A_45 = arith.constant 0 : i32
      %dma_start3A_46 = arith.constant 0 : i32
      %dma_start3A_47 = arith.constant 0 : i32
      %dma_start3A_48 = tpu.memref_slice %arg2[%add3A, %dma_start3A_45, %dma_start3A_46, %dma_start3A_47] : memref<32x80x1x128xi32, #tpu.memory_space<hbm>> -> memref<1x80x1x128xi32, #tpu.memory_space<hbm>>
      %dma_start3A_49 = tpu.memref_squeeze %dma_start3A_48 : memref<1x80x1x128xi32, #tpu.memory_space<hbm>> -> memref<80x1x128xi32, #tpu.memory_space<hbm>>
      %dma_start3A_50 = arith.constant 0 : i32
      %dma_start3A_51 = arith.constant 0 : i32
      %dma_start3A_52 = arith.constant 0 : i32
      %dma_start3A_53 = tpu.memref_slice %arg2[%add3A, %dma_start3A_50, %dma_start3A_51, %dma_start3A_52] : memref<32x80x1x128xi32, #tpu.memory_space<hbm>> -> memref<1x80x1x128xi32, #tpu.memory_space<hbm>>
      %dma_start3A_54 = tpu.memref_squeeze %dma_start3A_53 : memref<1x80x1x128xi32, #tpu.memory_space<hbm>> -> memref<80x1x128xi32, #tpu.memory_space<hbm>>
      tpu.enqueue_dma source(%dma_start3A_54 : memref<80x1x128xi32, #tpu.memory_space<hbm>>) target(%arg6 : memref<80x1x128xi32, #tpu.memory_space<vmem>>) target_semaphore(%run_scoped3A : memref<!tpu.dma_semaphore, #tpu.memory_space<semaphore_mem>>)
      %dma_wait3A = arith.constant 0 : i32
      %dma_wait3A_55 = arith.constant 0 : i32
      %dma_wait3A_56 = arith.constant 0 : i32
      %dma_wait3A_57 = tpu.memref_slice %arg2[%add3A, %dma_wait3A, %dma_wait3A_55, %dma_wait3A_56] : memref<32x80x1x128xi32, #tpu.memory_space<hbm>> -> memref<1x80x1x128xi32, #tpu.memory_space<hbm>>
      %dma_wait3A_58 = tpu.memref_squeeze %dma_wait3A_57 : memref<1x80x1x128xi32, #tpu.memory_space<hbm>> -> memref<80x1x128xi32, #tpu.memory_space<hbm>>
      %dma_wait3A_59 = arith.constant 0 : i32
      %dma_wait3A_60 = arith.constant 0 : i32
      %dma_wait3A_61 = arith.constant 0 : i32
      %dma_wait3A_62 = tpu.memref_slice %arg2[%add3A, %dma_wait3A_59, %dma_wait3A_60, %dma_wait3A_61] : memref<32x80x1x128xi32, #tpu.memory_space<hbm>> -> memref<1x80x1x128xi32, #tpu.memory_space<hbm>>
      %dma_wait3A_63 = tpu.memref_squeeze %dma_wait3A_62 : memref<1x80x1x128xi32, #tpu.memory_space<hbm>> -> memref<80x1x128xi32, #tpu.memory_space<hbm>>
      tpu.wait_dma2 semaphore(%run_scoped3A : memref<!tpu.dma_semaphore, #tpu.memory_space<semaphore_mem>>) src(%dma_wait3A_63 : memref<80x1x128xi32, #tpu.memory_space<hbm>>) dst(%arg6 : memref<80x1x128xi32, #tpu.memory_space<vmem>>)
      tpu.yield
    }) : () -> ()
    "tpu.region"() ({
      %run_scoped3A = tpu.sem_alloc : memref<!tpu.dma_semaphore, #tpu.memory_space<semaphore_mem>>
      %dma_start3A_45 = arith.constant 0 : i32
      %dma_start3A_46 = arith.constant 0 : i32
      %dma_start3A_47 = arith.constant 0 : i32
      %dma_start3A_48 = tpu.memref_slice %arg3[%add3A, %dma_start3A_45, %dma_start3A_46, %dma_start3A_47] : memref<32x80x1x128xi32, #tpu.memory_space<hbm>> -> memref<1x80x1x128xi32, #tpu.memory_space<hbm>>
      %dma_start3A_49 = tpu.memref_squeeze %dma_start3A_48 : memref<1x80x1x128xi32, #tpu.memory_space<hbm>> -> memref<80x1x128xi32, #tpu.memory_space<hbm>>
      %dma_start3A_50 = arith.constant 0 : i32
      %dma_start3A_51 = arith.constant 0 : i32
      %dma_start3A_52 = arith.constant 0 : i32
      %dma_start3A_53 = tpu.memref_slice %arg3[%add3A, %dma_start3A_50, %dma_start3A_51, %dma_start3A_52] : memref<32x80x1x128xi32, #tpu.memory_space<hbm>> -> memref<1x80x1x128xi32, #tpu.memory_space<hbm>>
      %dma_start3A_54 = tpu.memref_squeeze %dma_start3A_53 : memref<1x80x1x128xi32, #tpu.memory_space<hbm>> -> memref<80x1x128xi32, #tpu.memory_space<hbm>>
      tpu.enqueue_dma source(%dma_start3A_54 : memref<80x1x128xi32, #tpu.memory_space<hbm>>) target(%arg7 : memref<80x1x128xi32, #tpu.memory_space<vmem>>) target_semaphore(%run_scoped3A : memref<!tpu.dma_semaphore, #tpu.memory_space<semaphore_mem>>)
      %dma_wait3A = arith.constant 0 : i32
      %dma_wait3A_55 = arith.constant 0 : i32
      %dma_wait3A_56 = arith.constant 0 : i32
      %dma_wait3A_57 = tpu.memref_slice %arg3[%add3A, %dma_wait3A, %dma_wait3A_55, %dma_wait3A_56] : memref<32x80x1x128xi32, #tpu.memory_space<hbm>> -> memref<1x80x1x128xi32, #tpu.memory_space<hbm>>
      %dma_wait3A_58 = tpu.memref_squeeze %dma_wait3A_57 : memref<1x80x1x128xi32, #tpu.memory_space<hbm>> -> memref<80x1x128xi32, #tpu.memory_space<hbm>>
      %dma_wait3A_59 = arith.constant 0 : i32
      %dma_wait3A_60 = arith.constant 0 : i32
      %dma_wait3A_61 = arith.constant 0 : i32
      %dma_wait3A_62 = tpu.memref_slice %arg3[%add3A, %dma_wait3A_59, %dma_wait3A_60, %dma_wait3A_61] : memref<32x80x1x128xi32, #tpu.memory_space<hbm>> -> memref<1x80x1x128xi32, #tpu.memory_space<hbm>>
      %dma_wait3A_63 = tpu.memref_squeeze %dma_wait3A_62 : memref<1x80x1x128xi32, #tpu.memory_space<hbm>> -> memref<80x1x128xi32, #tpu.memory_space<hbm>>
      tpu.wait_dma2 semaphore(%run_scoped3A : memref<!tpu.dma_semaphore, #tpu.memory_space<semaphore_mem>>) src(%dma_wait3A_63 : memref<80x1x128xi32, #tpu.memory_space<hbm>>) dst(%arg7 : memref<80x1x128xi32, #tpu.memory_space<vmem>>)
      tpu.yield
    }) : () -> ()
    %lt3A = arith.constant 10 : i32
    %lt3A_1 = arith.cmpi slt, %arg1, %lt3A : i32
    %convert_element_type3A = arith.extui %lt3A_1 : i1 to i32
    %cond3A = arith.constant 0 : i32
    %cond3A_2 = arith.cmpi ne, %convert_element_type3A, %cond3A : i32
    scf.if %cond3A_2 {
      %mul3A_45 = arith.constant 1000 : i32
      %mul3A_46 = arith.muli %arg1, %mul3A_45 : i32
      %mul3A_47 = arith.constant 1000 : i32
      %mul3A_48 = arith.muli %arg1, %mul3A_47 : i32
      "tpu.region"() ({
        %run_scoped3A = tpu.sem_alloc : memref<!tpu.dma_semaphore, #tpu.memory_space<semaphore_mem>>
        %dma_start3A_57 = arith.constant 0 : i32
        %dma_start3A_58 = tpu.memref_slice %arg14[%mul3A_48, %dma_start3A_57] : memref<10008x16xf32, #tpu.memory_space<vmem_shared>> -> memref<1000x16xf32, #tpu.memory_space<vmem_shared>>
        %dma_start3A_59 = arith.constant 0 : i32
        %dma_start3A_60 = tpu.memref_slice %arg4[%mul3A_46, %dma_start3A_59] : memref<10008x16xf32, #tpu.memory_space<hbm>> -> memref<1000x16xf32, #tpu.memory_space<hbm>>
        tpu.enqueue_dma source(%dma_start3A_60 : memref<1000x16xf32, #tpu.memory_space<hbm>>) target(%dma_start3A_58 : memref<1000x16xf32, #tpu.memory_space<vmem_shared>>) target_semaphore(%run_scoped3A : memref<!tpu.dma_semaphore, #tpu.memory_space<semaphore_mem>>)
        %dma_wait3A = arith.constant 0 : i32
        %dma_wait3A_61 = tpu.memref_slice %arg14[%mul3A_48, %dma_wait3A] : memref<10008x16xf32, #tpu.memory_space<vmem_shared>> -> memref<1000x16xf32, #tpu.memory_space<vmem_shared>>
        %dma_wait3A_62 = arith.constant 0 : i32
        %dma_wait3A_63 = tpu.memref_slice %arg4[%mul3A_46, %dma_wait3A_62] : memref<10008x16xf32, #tpu.memory_space<hbm>> -> memref<1000x16xf32, #tpu.memory_space<hbm>>
        tpu.wait_dma2 semaphore(%run_scoped3A : memref<!tpu.dma_semaphore, #tpu.memory_space<semaphore_mem>>) src(%dma_wait3A_63 : memref<1000x16xf32, #tpu.memory_space<hbm>>) dst(%dma_wait3A_61 : memref<1000x16xf32, #tpu.memory_space<vmem_shared>>)
        tpu.yield
      }) : () -> ()
      %scan3A_49 = arith.constant 0 : i32
      %scan3A_50 = arith.constant 0 : i32
      %scan3A_51 = arith.constant 1000 : i32
      %scan3A_52 = arith.addi %scan3A_50, %scan3A_51 : i32
      %scan3A_53 = arith.constant 8 : i32
      scf.for %scan3A_57 = %scan3A_50 to %scan3A_52 step %scan3A_53  : i32 {
        %broadcast_in_dim3A = arith.constant 0.000000e+00 : f32
        %broadcast_in_dim3A_58 = vector.broadcast %broadcast_in_dim3A : f32 to vector<16xf32>
        %swap3A = arith.index_cast %scan3A_57 : i32 to index
        %swap3A_59 = arith.constant 0 : index
        %swap3A_60 = tpu.vector_load %arg12[%swap3A, %swap3A_59] {strides = array<i32>} : memref<1000x16xf32, #tpu.memory_space<vmem>>, vector<1x16xf32>,
        %swap3A_61 = vector.shape_cast %swap3A_60 : vector<1x16xf32> to vector<16xf32>
        %swap3A_62 = vector.shape_cast %broadcast_in_dim3A_58 : vector<16xf32> to vector<1x16xf32>
        tpu.vector_store %arg12[%swap3A, %swap3A_59], %swap3A_62 {strides = array<i32>} : memref<1000x16xf32, #tpu.memory_space<vmem>>, vector<1x16xf32>,
        %scan3A_63 = arith.constant 1 : i32
        %scan3A_64 = arith.addi %scan3A_57, %scan3A_63 : i32
        %broadcast_in_dim3A_65 = arith.constant 0.000000e+00 : f32
        %broadcast_in_dim3A_66 = vector.broadcast %broadcast_in_dim3A_65 : f32 to vector<16xf32>
        %swap3A_67 = arith.index_cast %scan3A_64 : i32 to index
        %swap3A_68 = arith.constant 0 : index
        %swap3A_69 = tpu.vector_load %arg12[%swap3A_67, %swap3A_68] {strides = array<i32>} : memref<1000x16xf32, #tpu.memory_space<vmem>>, vector<1x16xf32>,
        %swap3A_70 = vector.shape_cast %swap3A_69 : vector<1x16xf32> to vector<16xf32>
        %swap3A_71 = vector.shape_cast %broadcast_in_dim3A_66 : vector<16xf32> to vector<1x16xf32>
        tpu.vector_store %arg12[%swap3A_67, %swap3A_68], %swap3A_71 {strides = array<i32>} : memref<1000x16xf32, #tpu.memory_space<vmem>>, vector<1x16xf32>,
        %scan3A_72 = arith.constant 2 : i32
        %scan3A_73 = arith.addi %scan3A_57, %scan3A_72 : i32
        %broadcast_in_dim3A_74 = arith.constant 0.000000e+00 : f32
        %broadcast_in_dim3A_75 = vector.broadcast %broadcast_in_dim3A_74 : f32 to vector<16xf32>
        %swap3A_76 = arith.index_cast %scan3A_73 : i32 to index
        %swap3A_77 = arith.constant 0 : index
        %swap3A_78 = tpu.vector_load %arg12[%swap3A_76, %swap3A_77] {strides = array<i32>} : memref<1000x16xf32, #tpu.memory_space<vmem>>, vector<1x16xf32>,
        %swap3A_79 = vector.shape_cast %swap3A_78 : vector<1x16xf32> to vector<16xf32>
        %swap3A_80 = vector.shape_cast %broadcast_in_dim3A_75 : vector<16xf32> to vector<1x16xf32>
        tpu.vector_store %arg12[%swap3A_76, %swap3A_77], %swap3A_80 {strides = array<i32>} : memref<1000x16xf32, #tpu.memory_space<vmem>>, vector<1x16xf32>,
        %scan3A_81 = arith.constant 3 : i32
        %scan3A_82 = arith.addi %scan3A_57, %scan3A_81 : i32
        %broadcast_in_dim3A_83 = arith.constant 0.000000e+00 : f32
        %broadcast_in_dim3A_84 = vector.broadcast %broadcast_in_dim3A_83 : f32 to vector<16xf32>
        %swap3A_85 = arith.index_cast %scan3A_82 : i32 to index
        %swap3A_86 = arith.constant 0 : index
        %swap3A_87 = tpu.vector_load %arg12[%swap3A_85, %swap3A_86] {strides = array<i32>} : memref<1000x16xf32, #tpu.memory_space<vmem>>, vector<1x16xf32>,
        %swap3A_88 = vector.shape_cast %swap3A_87 : vector<1x16xf32> to vector<16xf32>
        %swap3A_89 = vector.shape_cast %broadcast_in_dim3A_84 : vector<16xf32> to vector<1x16xf32>
        tpu.vector_store %arg12[%swap3A_85, %swap3A_86], %swap3A_89 {strides = array<i32>} : memref<1000x16xf32, #tpu.memory_space<vmem>>, vector<1x16xf32>,
        %scan3A_90 = arith.constant 4 : i32
        %scan3A_91 = arith.addi %scan3A_57, %scan3A_90 : i32
        %broadcast_in_dim3A_92 = arith.constant 0.000000e+00 : f32
        %broadcast_in_dim3A_93 = vector.broadcast %broadcast_in_dim3A_92 : f32 to vector<16xf32>
        %swap3A_94 = arith.index_cast %scan3A_91 : i32 to index
        %swap3A_95 = arith.constant 0 : index
        %swap3A_96 = tpu.vector_load %arg12[%swap3A_94, %swap3A_95] {strides = array<i32>} : memref<1000x16xf32, #tpu.memory_space<vmem>>, vector<1x16xf32>,
        %swap3A_97 = vector.shape_cast %swap3A_96 : vector<1x16xf32> to vector<16xf32>
        %swap3A_98 = vector.shape_cast %broadcast_in_dim3A_93 : vector<16xf32> to vector<1x16xf32>
        tpu.vector_store %arg12[%swap3A_94, %swap3A_95], %swap3A_98 {strides = array<i32>} : memref<1000x16xf32, #tpu.memory_space<vmem>>, vector<1x16xf32>,
        %scan3A_99 = arith.constant 5 : i32
        %scan3A_100 = arith.addi %scan3A_57, %scan3A_99 : i32
        %broadcast_in_dim3A_101 = arith.constant 0.000000e+00 : f32
        %broadcast_in_dim3A_102 = vector.broadcast %broadcast_in_dim3A_101 : f32 to vector<16xf32>
        %swap3A_103 = arith.index_cast %scan3A_100 : i32 to index
        %swap3A_104 = arith.constant 0 : index
        %swap3A_105 = tpu.vector_load %arg12[%swap3A_103, %swap3A_104] {strides = array<i32>} : memref<1000x16xf32, #tpu.memory_space<vmem>>, vector<1x16xf32>,
        %swap3A_106 = vector.shape_cast %swap3A_105 : vector<1x16xf32> to vector<16xf32>
        %swap3A_107 = vector.shape_cast %broadcast_in_dim3A_102 : vector<16xf32> to vector<1x16xf32>
        tpu.vector_store %arg12[%swap3A_103, %swap3A_104], %swap3A_107 {strides = array<i32>} : memref<1000x16xf32, #tpu.memory_space<vmem>>, vector<1x16xf32>,
        %scan3A_108 = arith.constant 6 : i32
        %scan3A_109 = arith.addi %scan3A_57, %scan3A_108 : i32
        %broadcast_in_dim3A_110 = arith.constant 0.000000e+00 : f32
        %broadcast_in_dim3A_111 = vector.broadcast %broadcast_in_dim3A_110 : f32 to vector<16xf32>
        %swap3A_112 = arith.index_cast %scan3A_109 : i32 to index
        %swap3A_113 = arith.constant 0 : index
        %swap3A_114 = tpu.vector_load %arg12[%swap3A_112, %swap3A_113] {strides = array<i32>} : memref<1000x16xf32, #tpu.memory_space<vmem>>, vector<1x16xf32>,
        %swap3A_115 = vector.shape_cast %swap3A_114 : vector<1x16xf32> to vector<16xf32>
        %swap3A_116 = vector.shape_cast %broadcast_in_dim3A_111 : vector<16xf32> to vector<1x16xf32>
        tpu.vector_store %arg12[%swap3A_112, %swap3A_113], %swap3A_116 {strides = array<i32>} : memref<1000x16xf32, #tpu.memory_space<vmem>>, vector<1x16xf32>,
        %scan3A_117 = arith.constant 7 : i32
        %scan3A_118 = arith.addi %scan3A_57, %scan3A_117 : i32
        %broadcast_in_dim3A_119 = arith.constant 0.000000e+00 : f32
        %broadcast_in_dim3A_120 = vector.broadcast %broadcast_in_dim3A_119 : f32 to vector<16xf32>
        %swap3A_121 = arith.index_cast %scan3A_118 : i32 to index
        %swap3A_122 = arith.constant 0 : index
        %swap3A_123 = tpu.vector_load %arg12[%swap3A_121, %swap3A_122] {strides = array<i32>} : memref<1000x16xf32, #tpu.memory_space<vmem>>, vector<1x16xf32>,
        %swap3A_124 = vector.shape_cast %swap3A_123 : vector<1x16xf32> to vector<16xf32>
        %swap3A_125 = vector.shape_cast %broadcast_in_dim3A_120 : vector<16xf32> to vector<1x16xf32>
        tpu.vector_store %arg12[%swap3A_121, %swap3A_122], %swap3A_125 {strides = array<i32>} : memref<1000x16xf32, #tpu.memory_space<vmem>>, vector<1x16xf32>,
      }
      %scan3A_54 = arith.constant 1000 : i32
      %mul3A_55 = arith.constant 1000 : i32
      %mul3A_56 = arith.muli %arg1, %mul3A_55 : i32
      "tpu.region"() ({
        %run_scoped3A = tpu.sem_alloc : memref<!tpu.dma_semaphore, #tpu.memory_space<semaphore_mem>>
        %dma_start3A_57 = arith.constant 0 : i32
        %dma_start3A_58 = tpu.memref_slice %arg13[%mul3A_56, %dma_start3A_57] : memref<10008x16xf32, #tpu.memory_space<vmem_shared>> -> memref<1000x16xf32, #tpu.memory_space<vmem_shared>>
        %dma_start3A_59 = arith.constant 0 : i32
        %dma_start3A_60 = tpu.memref_slice %arg13[%mul3A_56, %dma_start3A_59] : memref<10008x16xf32, #tpu.memory_space<vmem_shared>> -> memref<1000x16xf32, #tpu.memory_space<vmem_shared>>
        tpu.enqueue_dma source(%arg12 : memref<1000x16xf32, #tpu.memory_space<vmem>>) target(%dma_start3A_60 : memref<1000x16xf32, #tpu.memory_space<vmem_shared>>) target_semaphore(%run_scoped3A : memref<!tpu.dma_semaphore, #tpu.memory_space<semaphore_mem>>)
        %dma_wait3A = arith.constant 0 : i32
        %dma_wait3A_61 = tpu.memref_slice %arg13[%mul3A_56, %dma_wait3A] : memref<10008x16xf32, #tpu.memory_space<vmem_shared>> -> memref<1000x16xf32, #tpu.memory_space<vmem_shared>>
        %dma_wait3A_62 = arith.constant 0 : i32
        %dma_wait3A_63 = tpu.memref_slice %arg13[%mul3A_56, %dma_wait3A_62] : memref<10008x16xf32, #tpu.memory_space<vmem_shared>> -> memref<1000x16xf32, #tpu.memory_space<vmem_shared>>
        tpu.wait_dma2 semaphore(%run_scoped3A : memref<!tpu.dma_semaphore, #tpu.memory_space<semaphore_mem>>) src(%arg12 : memref<1000x16xf32, #tpu.memory_space<vmem>>) dst(%dma_wait3A_63 : memref<1000x16xf32, #tpu.memory_space<vmem_shared>>)
        tpu.yield
      }) : () -> ()
    } else {
    }
    %barrier3A = arith.constant 0 : index
    tpu.barrier barrier_id(%barrier3A)
    %dma_start3A = arith.constant 0 : i32
    %dma_start3A_3 = arith.constant 0 : i32
    %dma_start3A_4 = arith.constant 0 : i32
    %dma_start3A_5 = tpu.memref_slice %arg6[%dma_start3A, %dma_start3A_3, %dma_start3A_4] : memref<80x1x128xi32, #tpu.memory_space<vmem>> -> memref<1x1x128xi32, #tpu.memory_space<vmem>>
    %dma_start3A_6 = tpu.memref_squeeze %dma_start3A_5 : memref<1x1x128xi32, #tpu.memory_space<vmem>> -> memref<128xi32, #tpu.memory_space<vmem>>
    %dma_start3A_7 = arith.constant 0 : i32
    %dma_start3A_8 = arith.constant 0 : i32
    %dma_start3A_9 = tpu.memref_slice %arg14[%dma_start3A_7, %dma_start3A_8] : memref<10008x16xf32, #tpu.memory_space<vmem_shared>> -> memref<10008x16xf32, #tpu.memory_space<vmem_shared>>
    tpu.enqueue_indirect_dma source(%dma_start3A_9 : memref<10008x16xf32, #tpu.memory_space<vmem_shared>>) target(%arg8 : memref<128x16xf32, #tpu.memory_space<vmem>>) offsets(%dma_start3A_6 : memref<128xi32, #tpu.memory_space<vmem>>) semaphore(%arg15 : memref<!tpu.dma_semaphore, #tpu.memory_space<semaphore_mem>>)
    %dma_start3A_10 = arith.constant 1 : i32
    %dma_start3A_11 = arith.constant 0 : i32
    %dma_start3A_12 = arith.constant 0 : i32
    %dma_start3A_13 = tpu.memref_slice %arg6[%dma_start3A_10, %dma_start3A_11, %dma_start3A_12] : memref<80x1x128xi32, #tpu.memory_space<vmem>> -> memref<1x1x128xi32, #tpu.memory_space<vmem>>
    %dma_start3A_14 = tpu.memref_squeeze %dma_start3A_13 : memref<1x1x128xi32, #tpu.memory_space<vmem>> -> memref<128xi32, #tpu.memory_space<vmem>>
    %dma_start3A_15 = arith.constant 0 : i32
    %dma_start3A_16 = arith.constant 0 : i32
    %dma_start3A_17 = tpu.memref_slice %arg14[%dma_start3A_15, %dma_start3A_16] : memref<10008x16xf32, #tpu.memory_space<vmem_shared>> -> memref<10008x16xf32, #tpu.memory_space<vmem_shared>>
    tpu.enqueue_indirect_dma source(%dma_start3A_17 : memref<10008x16xf32, #tpu.memory_space<vmem_shared>>) target(%arg9 : memref<128x16xf32, #tpu.memory_space<vmem>>) offsets(%dma_start3A_14 : memref<128xi32, #tpu.memory_space<vmem>>) semaphore(%arg16 : memref<!tpu.dma_semaphore, #tpu.memory_space<semaphore_mem>>)
    %dma_start3A_18 = arith.constant 2 : i32
    %dma_start3A_19 = arith.constant 0 : i32
    %dma_start3A_20 = arith.constant 0 : i32
    %dma_start3A_21 = tpu.memref_slice %arg6[%dma_start3A_18, %dma_start3A_19, %dma_start3A_20] : memref<80x1x128xi32, #tpu.memory_space<vmem>> -> memref<1x1x128xi32, #tpu.memory_space<vmem>>
    %dma_start3A_22 = tpu.memref_squeeze %dma_start3A_21 : memref<1x1x128xi32, #tpu.memory_space<vmem>> -> memref<128xi32, #tpu.memory_space<vmem>>
    %dma_start3A_23 = arith.constant 0 : i32
    %dma_start3A_24 = arith.constant 0 : i32
    %dma_start3A_25 = tpu.memref_slice %arg14[%dma_start3A_23, %dma_start3A_24] : memref<10008x16xf32, #tpu.memory_space<vmem_shared>> -> memref<10008x16xf32, #tpu.memory_space<vmem_shared>>
    tpu.enqueue_indirect_dma source(%dma_start3A_25 : memref<10008x16xf32, #tpu.memory_space<vmem_shared>>) target(%arg10 : memref<128x16xf32, #tpu.memory_space<vmem>>) offsets(%dma_start3A_22 : memref<128xi32, #tpu.memory_space<vmem>>) semaphore(%arg17 : memref<!tpu.dma_semaphore, #tpu.memory_space<semaphore_mem>>)
    %dma_start3A_26 = arith.constant 3 : i32
    %dma_start3A_27 = arith.constant 0 : i32
    %dma_start3A_28 = arith.constant 0 : i32
    %dma_start3A_29 = tpu.memref_slice %arg6[%dma_start3A_26, %dma_start3A_27, %dma_start3A_28] : memref<80x1x128xi32, #tpu.memory_space<vmem>> -> memref<1x1x128xi32, #tpu.memory_space<vmem>>
    %dma_start3A_30 = tpu.memref_squeeze %dma_start3A_29 : memref<1x1x128xi32, #tpu.memory_space<vmem>> -> memref<128xi32, #tpu.memory_space<vmem>>
    %dma_start3A_31 = arith.constant 0 : i32
    %dma_start3A_32 = arith.constant 0 : i32
    %dma_start3A_33 = tpu.memref_slice %arg14[%dma_start3A_31, %dma_start3A_32] : memref<10008x16xf32, #tpu.memory_space<vmem_shared>> -> memref<10008x16xf32, #tpu.memory_space<vmem_shared>>
    tpu.enqueue_indirect_dma source(%dma_start3A_33 : memref<10008x16xf32, #tpu.memory_space<vmem_shared>>) target(%arg11 : memref<128x16xf32, #tpu.memory_space<vmem>>) offsets(%dma_start3A_30 : memref<128xi32, #tpu.memory_space<vmem>>) semaphore(%arg18 : memref<!tpu.dma_semaphore, #tpu.memory_space<semaphore_mem>>)
    %scan3A = arith.constant 0 : i32
    %scan3A_34 = arith.constant 0 : i32
    %scan3A_35 = arith.constant 20 : i32
    %scan3A_36 = arith.addi %scan3A_34, %scan3A_35 : i32
    %scan3A_37 = arith.constant 1 : i32
    scf.for %scan3A_45 = %scan3A_34 to %scan3A_36 step %scan3A_37  : i32 {
      %mul3A_46 = arith.constant 4 : i32
      %mul3A_47 = arith.muli %mul3A_46, %scan3A_45 : i32
      %add3A_48 = arith.constant 0 : i32
      %add3A_49 = arith.addi %mul3A_47, %add3A_48 : i32
      %dma_wait3A = arith.constant 0 : i32
      %dma_wait3A_50 = arith.constant 0 : i32
      %dma_wait3A_51 = arith.constant 0 : i32
      %dma_wait3A_52 = tpu.memref_slice %arg6[%dma_wait3A, %dma_wait3A_50, %dma_wait3A_51] : memref<80x1x128xi32, #tpu.memory_space<vmem>> -> memref<1x1x128xi32, #tpu.memory_space<vmem>>
      %dma_wait3A_53 = tpu.memref_squeeze %dma_wait3A_52 : memref<1x1x128xi32, #tpu.memory_space<vmem>> -> memref<128xi32, #tpu.memory_space<vmem>>
      %dma_wait3A_54 = arith.constant 0 : i32
      %dma_wait3A_55 = arith.constant 0 : i32
      %dma_wait3A_56 = tpu.memref_slice %arg14[%dma_wait3A_54, %dma_wait3A_55] : memref<10008x16xf32, #tpu.memory_space<vmem_shared>> -> memref<10008x16xf32, #tpu.memory_space<vmem_shared>>
      tpu.wait_indirect_dma semaphore(%arg15 : memref<!tpu.dma_semaphore, #tpu.memory_space<semaphore_mem>>) src(%dma_wait3A_56 : memref<10008x16xf32, #tpu.memory_space<vmem_shared>>) dst(%arg8 : memref<128x16xf32, #tpu.memory_space<vmem>>)
      %run_scoped3A = arith.constant 0 : i32
      "tpu.region"() ({
        %run_scoped3A_124 = tpu.sem_alloc : memref<!tpu.dma_semaphore, #tpu.memory_space<semaphore_mem>>
        %dma_start3A_125 = arith.constant 0 : i32
        %dma_start3A_126 = tpu.memref_slice %arg7[%add3A_49, %run_scoped3A, %dma_start3A_125] : memref<80x1x128xi32, #tpu.memory_space<vmem>> -> memref<1x1x128xi32, #tpu.memory_space<vmem>>
        %dma_start3A_127 = tpu.memref_squeeze %dma_start3A_126 : memref<1x1x128xi32, #tpu.memory_space<vmem>> -> memref<128xi32, #tpu.memory_space<vmem>>
        %dma_start3A_128 = arith.constant 0 : i32
        %dma_start3A_129 = arith.constant 0 : i32
        %dma_start3A_130 = tpu.memref_slice %arg13[%dma_start3A_128, %dma_start3A_129] : memref<10008x16xf32, #tpu.memory_space<vmem_shared>> -> memref<10008x16xf32, #tpu.memory_space<vmem_shared>>
        tpu.enqueue_indirect_dma source(%arg8 : memref<128x16xf32, #tpu.memory_space<vmem>>) target(%dma_start3A_130 : memref<10008x16xf32, #tpu.memory_space<vmem_shared>>) offsets(%dma_start3A_127 : memref<128xi32, #tpu.memory_space<vmem>>) semaphore(%run_scoped3A_124 : memref<!tpu.dma_semaphore, #tpu.memory_space<semaphore_mem>>) {add = true}
        %dma_wait3A_131 = arith.constant 0 : i32
        %dma_wait3A_132 = tpu.memref_slice %arg7[%add3A_49, %run_scoped3A, %dma_wait3A_131] : memref<80x1x128xi32, #tpu.memory_space<vmem>> -> memref<1x1x128xi32, #tpu.memory_space<vmem>>
        %dma_wait3A_133 = tpu.memref_squeeze %dma_wait3A_132 : memref<1x1x128xi32, #tpu.memory_space<vmem>> -> memref<128xi32, #tpu.memory_space<vmem>>
        %dma_wait3A_134 = arith.constant 0 : i32
        %dma_wait3A_135 = arith.constant 0 : i32
        %dma_wait3A_136 = tpu.memref_slice %arg13[%dma_wait3A_134, %dma_wait3A_135] : memref<10008x16xf32, #tpu.memory_space<vmem_shared>> -> memref<10008x16xf32, #tpu.memory_space<vmem_shared>>
        tpu.wait_indirect_dma semaphore(%run_scoped3A_124 : memref<!tpu.dma_semaphore, #tpu.memory_space<semaphore_mem>>) src(%arg8 : memref<128x16xf32, #tpu.memory_space<vmem>>) dst(%dma_wait3A_136 : memref<10008x16xf32, #tpu.memory_space<vmem_shared>>)
        tpu.yield
      }) : () -> ()
      %add3A_57 = arith.constant 4 : i32
      %add3A_58 = arith.addi %add3A_49, %add3A_57 : i32
      %lt3A_59 = arith.constant 80 : i32
      %lt3A_60 = arith.cmpi slt, %add3A_58, %lt3A_59 : i32
      %convert_element_type3A_61 = arith.extui %lt3A_60 : i1 to i32
      %cond3A_62 = arith.constant 0 : i32
      %cond3A_63 = arith.cmpi ne, %convert_element_type3A_61, %cond3A_62 : i32
      scf.if %cond3A_63 {
        %add3A_124 = arith.constant 4 : i32
        %add3A_125 = arith.addi %add3A_49, %add3A_124 : i32
        %dma_start3A_126 = arith.constant 0 : i32
        %dma_start3A_127 = arith.constant 0 : i32
        %dma_start3A_128 = tpu.memref_slice %arg6[%add3A_125, %dma_start3A_126, %dma_start3A_127] : memref<80x1x128xi32, #tpu.memory_space<vmem>> -> memref<1x1x128xi32, #tpu.memory_space<vmem>>
        %dma_start3A_129 = tpu.memref_squeeze %dma_start3A_128 : memref<1x1x128xi32, #tpu.memory_space<vmem>> -> memref<128xi32, #tpu.memory_space<vmem>>
        %dma_start3A_130 = arith.constant 0 : i32
        %dma_start3A_131 = arith.constant 0 : i32
        %dma_start3A_132 = tpu.memref_slice %arg14[%dma_start3A_130, %dma_start3A_131] : memref<10008x16xf32, #tpu.memory_space<vmem_shared>> -> memref<10008x16xf32, #tpu.memory_space<vmem_shared>>
        tpu.enqueue_indirect_dma source(%dma_start3A_132 : memref<10008x16xf32, #tpu.memory_space<vmem_shared>>) target(%arg8 : memref<128x16xf32, #tpu.memory_space<vmem>>) offsets(%dma_start3A_129 : memref<128xi32, #tpu.memory_space<vmem>>) semaphore(%arg15 : memref<!tpu.dma_semaphore, #tpu.memory_space<semaphore_mem>>)
      } else {
      }
      %mul3A_64 = arith.constant 4 : i32
      %mul3A_65 = arith.muli %mul3A_64, %scan3A_45 : i32
      %add3A_66 = arith.constant 1 : i32
      %add3A_67 = arith.addi %mul3A_65, %add3A_66 : i32
      %dma_wait3A_68 = arith.constant 0 : i32
      %dma_wait3A_69 = arith.constant 0 : i32
      %dma_wait3A_70 = arith.constant 0 : i32
      %dma_wait3A_71 = tpu.memref_slice %arg6[%dma_wait3A_68, %dma_wait3A_69, %dma_wait3A_70] : memref<80x1x128xi32, #tpu.memory_space<vmem>> -> memref<1x1x128xi32, #tpu.memory_space<vmem>>
      %dma_wait3A_72 = tpu.memref_squeeze %dma_wait3A_71 : memref<1x1x128xi32, #tpu.memory_space<vmem>> -> memref<128xi32, #tpu.memory_space<vmem>>
      %dma_wait3A_73 = arith.constant 0 : i32
      %dma_wait3A_74 = arith.constant 0 : i32
      %dma_wait3A_75 = tpu.memref_slice %arg14[%dma_wait3A_73, %dma_wait3A_74] : memref<10008x16xf32, #tpu.memory_space<vmem_shared>> -> memref<10008x16xf32, #tpu.memory_space<vmem_shared>>
      tpu.wait_indirect_dma semaphore(%arg16 : memref<!tpu.dma_semaphore, #tpu.memory_space<semaphore_mem>>) src(%dma_wait3A_75 : memref<10008x16xf32, #tpu.memory_space<vmem_shared>>) dst(%arg9 : memref<128x16xf32, #tpu.memory_space<vmem>>)
      %run_scoped3A_76 = arith.constant 0 : i32
      "tpu.region"() ({
        %run_scoped3A_124 = tpu.sem_alloc : memref<!tpu.dma_semaphore, #tpu.memory_space<semaphore_mem>>
        %dma_start3A_125 = arith.constant 0 : i32
        %dma_start3A_126 = tpu.memref_slice %arg7[%add3A_67, %run_scoped3A_76, %dma_start3A_125] : memref<80x1x128xi32, #tpu.memory_space<vmem>> -> memref<1x1x128xi32, #tpu.memory_space<vmem>>
        %dma_start3A_127 = tpu.memref_squeeze %dma_start3A_126 : memref<1x1x128xi32, #tpu.memory_space<vmem>> -> memref<128xi32, #tpu.memory_space<vmem>>
        %dma_start3A_128 = arith.constant 0 : i32
        %dma_start3A_129 = arith.constant 0 : i32
        %dma_start3A_130 = tpu.memref_slice %arg13[%dma_start3A_128, %dma_start3A_129] : memref<10008x16xf32, #tpu.memory_space<vmem_shared>> -> memref<10008x16xf32, #tpu.memory_space<vmem_shared>>
        tpu.enqueue_indirect_dma source(%arg9 : memref<128x16xf32, #tpu.memory_space<vmem>>) target(%dma_start3A_130 : memref<10008x16xf32, #tpu.memory_space<vmem_shared>>) offsets(%dma_start3A_127 : memref<128xi32, #tpu.memory_space<vmem>>) semaphore(%run_scoped3A_124 : memref<!tpu.dma_semaphore, #tpu.memory_space<semaphore_mem>>) {add = true}
        %dma_wait3A_131 = arith.constant 0 : i32
        %dma_wait3A_132 = tpu.memref_slice %arg7[%add3A_67, %run_scoped3A_76, %dma_wait3A_131] : memref<80x1x128xi32, #tpu.memory_space<vmem>> -> memref<1x1x128xi32, #tpu.memory_space<vmem>>
        %dma_wait3A_133 = tpu.memref_squeeze %dma_wait3A_132 : memref<1x1x128xi32, #tpu.memory_space<vmem>> -> memref<128xi32, #tpu.memory_space<vmem>>
        %dma_wait3A_134 = arith.constant 0 : i32
        %dma_wait3A_135 = arith.constant 0 : i32
        %dma_wait3A_136 = tpu.memref_slice %arg13[%dma_wait3A_134, %dma_wait3A_135] : memref<10008x16xf32, #tpu.memory_space<vmem_shared>> -> memref<10008x16xf32, #tpu.memory_space<vmem_shared>>
        tpu.wait_indirect_dma semaphore(%run_scoped3A_124 : memref<!tpu.dma_semaphore, #tpu.memory_space<semaphore_mem>>) src(%arg9 : memref<128x16xf32, #tpu.memory_space<vmem>>) dst(%dma_wait3A_136 : memref<10008x16xf32, #tpu.memory_space<vmem_shared>>)
        tpu.yield
      }) : () -> ()
      %add3A_77 = arith.constant 4 : i32
      %add3A_78 = arith.addi %add3A_67, %add3A_77 : i32
      %lt3A_79 = arith.constant 80 : i32
      %lt3A_80 = arith.cmpi slt, %add3A_78, %lt3A_79 : i32
      %convert_element_type3A_81 = arith.extui %lt3A_80 : i1 to i32
      %cond3A_82 = arith.constant 0 : i32
      %cond3A_83 = arith.cmpi ne, %convert_element_type3A_81, %cond3A_82 : i32
      scf.if %cond3A_83 {
        %add3A_124 = arith.constant 4 : i32
        %add3A_125 = arith.addi %add3A_67, %add3A_124 : i32
        %dma_start3A_126 = arith.constant 0 : i32
        %dma_start3A_127 = arith.constant 0 : i32
        %dma_start3A_128 = tpu.memref_slice %arg6[%add3A_125, %dma_start3A_126, %dma_start3A_127] : memref<80x1x128xi32, #tpu.memory_space<vmem>> -> memref<1x1x128xi32, #tpu.memory_space<vmem>>
        %dma_start3A_129 = tpu.memref_squeeze %dma_start3A_128 : memref<1x1x128xi32, #tpu.memory_space<vmem>> -> memref<128xi32, #tpu.memory_space<vmem>>
        %dma_start3A_130 = arith.constant 0 : i32
        %dma_start3A_131 = arith.constant 0 : i32
        %dma_start3A_132 = tpu.memref_slice %arg14[%dma_start3A_130, %dma_start3A_131] : memref<10008x16xf32, #tpu.memory_space<vmem_shared>> -> memref<10008x16xf32, #tpu.memory_space<vmem_shared>>
        tpu.enqueue_indirect_dma source(%dma_start3A_132 : memref<10008x16xf32, #tpu.memory_space<vmem_shared>>) target(%arg9 : memref<128x16xf32, #tpu.memory_space<vmem>>) offsets(%dma_start3A_129 : memref<128xi32, #tpu.memory_space<vmem>>) semaphore(%arg16 : memref<!tpu.dma_semaphore, #tpu.memory_space<semaphore_mem>>)
      } else {
      }
      %mul3A_84 = arith.constant 4 : i32
      %mul3A_85 = arith.muli %mul3A_84, %scan3A_45 : i32
      %add3A_86 = arith.constant 2 : i32
      %add3A_87 = arith.addi %mul3A_85, %add3A_86 : i32
      %dma_wait3A_88 = arith.constant 0 : i32
      %dma_wait3A_89 = arith.constant 0 : i32
      %dma_wait3A_90 = arith.constant 0 : i32
      %dma_wait3A_91 = tpu.memref_slice %arg6[%dma_wait3A_88, %dma_wait3A_89, %dma_wait3A_90] : memref<80x1x128xi32, #tpu.memory_space<vmem>> -> memref<1x1x128xi32, #tpu.memory_space<vmem>>
      %dma_wait3A_92 = tpu.memref_squeeze %dma_wait3A_91 : memref<1x1x128xi32, #tpu.memory_space<vmem>> -> memref<128xi32, #tpu.memory_space<vmem>>
      %dma_wait3A_93 = arith.constant 0 : i32
      %dma_wait3A_94 = arith.constant 0 : i32
      %dma_wait3A_95 = tpu.memref_slice %arg14[%dma_wait3A_93, %dma_wait3A_94] : memref<10008x16xf32, #tpu.memory_space<vmem_shared>> -> memref<10008x16xf32, #tpu.memory_space<vmem_shared>>
      tpu.wait_indirect_dma semaphore(%arg17 : memref<!tpu.dma_semaphore, #tpu.memory_space<semaphore_mem>>) src(%dma_wait3A_95 : memref<10008x16xf32, #tpu.memory_space<vmem_shared>>) dst(%arg10 : memref<128x16xf32, #tpu.memory_space<vmem>>)
      %run_scoped3A_96 = arith.constant 0 : i32
      "tpu.region"() ({
        %run_scoped3A_124 = tpu.sem_alloc : memref<!tpu.dma_semaphore, #tpu.memory_space<semaphore_mem>>
        %dma_start3A_125 = arith.constant 0 : i32
        %dma_start3A_126 = tpu.memref_slice %arg7[%add3A_87, %run_scoped3A_96, %dma_start3A_125] : memref<80x1x128xi32, #tpu.memory_space<vmem>> -> memref<1x1x128xi32, #tpu.memory_space<vmem>>
        %dma_start3A_127 = tpu.memref_squeeze %dma_start3A_126 : memref<1x1x128xi32, #tpu.memory_space<vmem>> -> memref<128xi32, #tpu.memory_space<vmem>>
        %dma_start3A_128 = arith.constant 0 : i32
        %dma_start3A_129 = arith.constant 0 : i32
        %dma_start3A_130 = tpu.memref_slice %arg13[%dma_start3A_128, %dma_start3A_129] : memref<10008x16xf32, #tpu.memory_space<vmem_shared>> -> memref<10008x16xf32, #tpu.memory_space<vmem_shared>>
        tpu.enqueue_indirect_dma source(%arg10 : memref<128x16xf32, #tpu.memory_space<vmem>>) target(%dma_start3A_130 : memref<10008x16xf32, #tpu.memory_space<vmem_shared>>) offsets(%dma_start3A_127 : memref<128xi32, #tpu.memory_space<vmem>>) semaphore(%run_scoped3A_124 : memref<!tpu.dma_semaphore, #tpu.memory_space<semaphore_mem>>) {add = true}
        %dma_wait3A_131 = arith.constant 0 : i32
        %dma_wait3A_132 = tpu.memref_slice %arg7[%add3A_87, %run_scoped3A_96, %dma_wait3A_131] : memref<80x1x128xi32, #tpu.memory_space<vmem>> -> memref<1x1x128xi32, #tpu.memory_space<vmem>>
        %dma_wait3A_133 = tpu.memref_squeeze %dma_wait3A_132 : memref<1x1x128xi32, #tpu.memory_space<vmem>> -> memref<128xi32, #tpu.memory_space<vmem>>
        %dma_wait3A_134 = arith.constant 0 : i32
        %dma_wait3A_135 = arith.constant 0 : i32
        %dma_wait3A_136 = tpu.memref_slice %arg13[%dma_wait3A_134, %dma_wait3A_135] : memref<10008x16xf32, #tpu.memory_space<vmem_shared>> -> memref<10008x16xf32, #tpu.memory_space<vmem_shared>>
        tpu.wait_indirect_dma semaphore(%run_scoped3A_124 : memref<!tpu.dma_semaphore, #tpu.memory_space<semaphore_mem>>) src(%arg10 : memref<128x16xf32, #tpu.memory_space<vmem>>) dst(%dma_wait3A_136 : memref<10008x16xf32, #tpu.memory_space<vmem_shared>>)
        tpu.yield
      }) : () -> ()
      %add3A_97 = arith.constant 4 : i32
      %add3A_98 = arith.addi %add3A_87, %add3A_97 : i32
      %lt3A_99 = arith.constant 80 : i32
      %lt3A_100 = arith.cmpi slt, %add3A_98, %lt3A_99 : i32
      %convert_element_type3A_101 = arith.extui %lt3A_100 : i1 to i32
      %cond3A_102 = arith.constant 0 : i32
      %cond3A_103 = arith.cmpi ne, %convert_element_type3A_101, %cond3A_102 : i32
      scf.if %cond3A_103 {
        %add3A_124 = arith.constant 4 : i32
        %add3A_125 = arith.addi %add3A_87, %add3A_124 : i32
        %dma_start3A_126 = arith.constant 0 : i32
        %dma_start3A_127 = arith.constant 0 : i32
        %dma_start3A_128 = tpu.memref_slice %arg6[%add3A_125, %dma_start3A_126, %dma_start3A_127] : memref<80x1x128xi32, #tpu.memory_space<vmem>> -> memref<1x1x128xi32, #tpu.memory_space<vmem>>
        %dma_start3A_129 = tpu.memref_squeeze %dma_start3A_128 : memref<1x1x128xi32, #tpu.memory_space<vmem>> -> memref<128xi32, #tpu.memory_space<vmem>>
        %dma_start3A_130 = arith.constant 0 : i32
        %dma_start3A_131 = arith.constant 0 : i32
        %dma_start3A_132 = tpu.memref_slice %arg14[%dma_start3A_130, %dma_start3A_131] : memref<10008x16xf32, #tpu.memory_space<vmem_shared>> -> memref<10008x16xf32, #tpu.memory_space<vmem_shared>>
        tpu.enqueue_indirect_dma source(%dma_start3A_132 : memref<10008x16xf32, #tpu.memory_space<vmem_shared>>) target(%arg10 : memref<128x16xf32, #tpu.memory_space<vmem>>) offsets(%dma_start3A_129 : memref<128xi32, #tpu.memory_space<vmem>>) semaphore(%arg17 : memref<!tpu.dma_semaphore, #tpu.memory_space<semaphore_mem>>)
      } else {
      }
      %mul3A_104 = arith.constant 4 : i32
      %mul3A_105 = arith.muli %mul3A_104, %scan3A_45 : i32
      %add3A_106 = arith.constant 3 : i32
      %add3A_107 = arith.addi %mul3A_105, %add3A_106 : i32
      %dma_wait3A_108 = arith.constant 0 : i32
      %dma_wait3A_109 = arith.constant 0 : i32
      %dma_wait3A_110 = arith.constant 0 : i32
      %dma_wait3A_111 = tpu.memref_slice %arg6[%dma_wait3A_108, %dma_wait3A_109, %dma_wait3A_110] : memref<80x1x128xi32, #tpu.memory_space<vmem>> -> memref<1x1x128xi32, #tpu.memory_space<vmem>>
      %dma_wait3A_112 = tpu.memref_squeeze %dma_wait3A_111 : memref<1x1x128xi32, #tpu.memory_space<vmem>> -> memref<128xi32, #tpu.memory_space<vmem>>
      %dma_wait3A_113 = arith.constant 0 : i32
      %dma_wait3A_114 = arith.constant 0 : i32
      %dma_wait3A_115 = tpu.memref_slice %arg14[%dma_wait3A_113, %dma_wait3A_114] : memref<10008x16xf32, #tpu.memory_space<vmem_shared>> -> memref<10008x16xf32, #tpu.memory_space<vmem_shared>>
      tpu.wait_indirect_dma semaphore(%arg18 : memref<!tpu.dma_semaphore, #tpu.memory_space<semaphore_mem>>) src(%dma_wait3A_115 : memref<10008x16xf32, #tpu.memory_space<vmem_shared>>) dst(%arg11 : memref<128x16xf32, #tpu.memory_space<vmem>>)
      %run_scoped3A_116 = arith.constant 0 : i32
      "tpu.region"() ({
        %run_scoped3A_124 = tpu.sem_alloc : memref<!tpu.dma_semaphore, #tpu.memory_space<semaphore_mem>>
        %dma_start3A_125 = arith.constant 0 : i32
        %dma_start3A_126 = tpu.memref_slice %arg7[%add3A_107, %run_scoped3A_116, %dma_start3A_125] : memref<80x1x128xi32, #tpu.memory_space<vmem>> -> memref<1x1x128xi32, #tpu.memory_space<vmem>>
        %dma_start3A_127 = tpu.memref_squeeze %dma_start3A_126 : memref<1x1x128xi32, #tpu.memory_space<vmem>> -> memref<128xi32, #tpu.memory_space<vmem>>
        %dma_start3A_128 = arith.constant 0 : i32
        %dma_start3A_129 = arith.constant 0 : i32
        %dma_start3A_130 = tpu.memref_slice %arg13[%dma_start3A_128, %dma_start3A_129] : memref<10008x16xf32, #tpu.memory_space<vmem_shared>> -> memref<10008x16xf32, #tpu.memory_space<vmem_shared>>
        tpu.enqueue_indirect_dma source(%arg11 : memref<128x16xf32, #tpu.memory_space<vmem>>) target(%dma_start3A_130 : memref<10008x16xf32, #tpu.memory_space<vmem_shared>>) offsets(%dma_start3A_127 : memref<128xi32, #tpu.memory_space<vmem>>) semaphore(%run_scoped3A_124 : memref<!tpu.dma_semaphore, #tpu.memory_space<semaphore_mem>>) {add = true}
        %dma_wait3A_131 = arith.constant 0 : i32
        %dma_wait3A_132 = tpu.memref_slice %arg7[%add3A_107, %run_scoped3A_116, %dma_wait3A_131] : memref<80x1x128xi32, #tpu.memory_space<vmem>> -> memref<1x1x128xi32, #tpu.memory_space<vmem>>
        %dma_wait3A_133 = tpu.memref_squeeze %dma_wait3A_132 : memref<1x1x128xi32, #tpu.memory_space<vmem>> -> memref<128xi32, #tpu.memory_space<vmem>>
        %dma_wait3A_134 = arith.constant 0 : i32
        %dma_wait3A_135 = arith.constant 0 : i32
        %dma_wait3A_136 = tpu.memref_slice %arg13[%dma_wait3A_134, %dma_wait3A_135] : memref<10008x16xf32, #tpu.memory_space<vmem_shared>> -> memref<10008x16xf32, #tpu.memory_space<vmem_shared>>
        tpu.wait_indirect_dma semaphore(%run_scoped3A_124 : memref<!tpu.dma_semaphore, #tpu.memory_space<semaphore_mem>>) src(%arg11 : memref<128x16xf32, #tpu.memory_space<vmem>>) dst(%dma_wait3A_136 : memref<10008x16xf32, #tpu.memory_space<vmem_shared>>)
        tpu.yield
      }) : () -> ()
      %add3A_117 = arith.constant 4 : i32
      %add3A_118 = arith.addi %add3A_107, %add3A_117 : i32
      %lt3A_119 = arith.constant 80 : i32
      %lt3A_120 = arith.cmpi slt, %add3A_118, %lt3A_119 : i32
      %convert_element_type3A_121 = arith.extui %lt3A_120 : i1 to i32
      %cond3A_122 = arith.constant 0 : i32
      %cond3A_123 = arith.cmpi ne, %convert_element_type3A_121, %cond3A_122 : i32
      scf.if %cond3A_123 {
        %add3A_124 = arith.constant 4 : i32
        %add3A_125 = arith.addi %add3A_107, %add3A_124 : i32
        %dma_start3A_126 = arith.constant 0 : i32
        %dma_start3A_127 = arith.constant 0 : i32
        %dma_start3A_128 = tpu.memref_slice %arg6[%add3A_125, %dma_start3A_126, %dma_start3A_127] : memref<80x1x128xi32, #tpu.memory_space<vmem>> -> memref<1x1x128xi32, #tpu.memory_space<vmem>>
        %dma_start3A_129 = tpu.memref_squeeze %dma_start3A_128 : memref<1x1x128xi32, #tpu.memory_space<vmem>> -> memref<128xi32, #tpu.memory_space<vmem>>
        %dma_start3A_130 = arith.constant 0 : i32
        %dma_start3A_131 = arith.constant 0 : i32
        %dma_start3A_132 = tpu.memref_slice %arg14[%dma_start3A_130, %dma_start3A_131] : memref<10008x16xf32, #tpu.memory_space<vmem_shared>> -> memref<10008x16xf32, #tpu.memory_space<vmem_shared>>
        tpu.enqueue_indirect_dma source(%dma_start3A_132 : memref<10008x16xf32, #tpu.memory_space<vmem_shared>>) target(%arg11 : memref<128x16xf32, #tpu.memory_space<vmem>>) offsets(%dma_start3A_129 : memref<128xi32, #tpu.memory_space<vmem>>) semaphore(%arg18 : memref<!tpu.dma_semaphore, #tpu.memory_space<semaphore_mem>>)
      } else {
      }
    }
    %scan3A_38 = arith.constant 20 : i32
    %barrier3A_39 = arith.constant 0 : index
    tpu.barrier barrier_id(%barrier3A_39)
    %lt3A_40 = arith.constant 10 : i32
    %lt3A_41 = arith.cmpi slt, %arg1, %lt3A_40 : i32
    %convert_element_type3A_42 = arith.extui %lt3A_41 : i1 to i32
    %cond3A_43 = arith.constant 0 : i32
    %cond3A_44 = arith.cmpi ne, %convert_element_type3A_42, %cond3A_43 : i32
    scf.if %cond3A_44 {
      %mul3A_45 = arith.constant 1000 : i32
      %mul3A_46 = arith.muli %arg1, %mul3A_45 : i32
      %mul3A_47 = arith.constant 1000 : i32
      %mul3A_48 = arith.muli %arg1, %mul3A_47 : i32
      "tpu.region"() ({
        %run_scoped3A = tpu.sem_alloc : memref<!tpu.dma_semaphore, #tpu.memory_space<semaphore_mem>>
        %dma_start3A_49 = arith.constant 0 : i32
        %dma_start3A_50 = tpu.memref_slice %arg5[%arg0, %mul3A_48, %dma_start3A_49] : memref<2x10000x16xf32, #tpu.memory_space<hbm>> -> memref<1x1000x16xf32, #tpu.memory_space<hbm>>
        %dma_start3A_51 = tpu.memref_squeeze %dma_start3A_50 : memref<1x1000x16xf32, #tpu.memory_space<hbm>> -> memref<1000x16xf32, #tpu.memory_space<hbm>>
        %dma_start3A_52 = arith.constant 0 : i32
        %dma_start3A_53 = tpu.memref_slice %arg13[%mul3A_46, %dma_start3A_52] : memref<10008x16xf32, #tpu.memory_space<vmem_shared>> -> memref<1000x16xf32, #tpu.memory_space<vmem_shared>>
        tpu.enqueue_dma source(%dma_start3A_53 : memref<1000x16xf32, #tpu.memory_space<vmem_shared>>) target(%dma_start3A_51 : memref<1000x16xf32, #tpu.memory_space<hbm>>) target_semaphore(%run_scoped3A : memref<!tpu.dma_semaphore, #tpu.memory_space<semaphore_mem>>)
        %dma_wait3A = arith.constant 0 : i32
        %dma_wait3A_54 = tpu.memref_slice %arg5[%arg0, %mul3A_48, %dma_wait3A] : memref<2x10000x16xf32, #tpu.memory_space<hbm>> -> memref<1x1000x16xf32, #tpu.memory_space<hbm>>
        %dma_wait3A_55 = tpu.memref_squeeze %dma_wait3A_54 : memref<1x1000x16xf32, #tpu.memory_space<hbm>> -> memref<1000x16xf32, #tpu.memory_space<hbm>>
        %dma_wait3A_56 = arith.constant 0 : i32
        %dma_wait3A_57 = tpu.memref_slice %arg13[%mul3A_46, %dma_wait3A_56] : memref<10008x16xf32, #tpu.memory_space<vmem_shared>> -> memref<1000x16xf32, #tpu.memory_space<vmem_shared>>
        tpu.wait_dma2 semaphore(%run_scoped3A : memref<!tpu.dma_semaphore, #tpu.memory_space<semaphore_mem>>) src(%dma_wait3A_57 : memref<1000x16xf32, #tpu.memory_space<vmem_shared>>) dst(%dma_wait3A_55 : memref<1000x16xf32, #tpu.memory_space<hbm>>)
        tpu.yield
      }) : () -> ()
    } else {
    }
    return
  }
}

module attributes {stable_mosaic.version = 14 : i64} {
  func.func @_tc1_body(%arg0: memref<10000x128xf32, #tpu.memory_space<vmem>>, %arg1: memref<128x16xf32, #tpu.memory_space<vmem>>, %arg2: memref<10008x16xf32, #tpu.memory_space<vmem>>, %arg3: memref<10000x8xf32, #tpu.memory_space<vmem>>) attributes {dimension_semantics = [], scalar_prefetch = 0 : i64, scratch_operands = 0 : i64, tpu.core_type = #tpu.core_type<tc>} {
    %get3A = arith.constant 0 : index
    %get3A_0 = arith.constant 0 : index
    %get3A_1 = vector.load %arg0[%get3A, %get3A_0] : memref<10000x128xf32, #tpu.memory_space<vmem>>, vector<10000x128xf32>
    %get3A_2 = arith.constant 0 : index
    %get3A_3 = arith.constant 0 : index
    %get3A_4 = vector.load %arg1[%get3A_2, %get3A_3] : memref<128x16xf32, #tpu.memory_space<vmem>>, vector<128x16xf32>
    %dot_general3A = arith.constant dense<0.000000e+00> : vector<10000x16xf32>
    %dot_general3A_5 = tpu.matmul %get3A_1, %get3A_4, %dot_general3A {dimension_numbers = #tpu.dot_dimension_numbers<[1], [0], [0], [1], [0, 0, 1, 1], [], []>, transpose_lhs_hint = false} : vector<10000x128xf32>, vector<128x16xf32>, vector<10000x16xf32> -> vector<10000x16xf32>
    %slice3A = vector.extract_strided_slice %dot_general3A_5 {offsets = [0, 0], sizes = [10000, 8], strides = [1, 1]} : vector<10000x16xf32> to vector<10000x8xf32>
    %broadcast_in_dim3A = arith.constant 1.000000e+00 : f32
    %broadcast_in_dim3A_6 = vector.broadcast %broadcast_in_dim3A : f32 to vector<10000x1xf32>
    %broadcast_in_dim3A_7 = arith.constant 0.000000e+00 : f32
    %broadcast_in_dim3A_8 = vector.broadcast %broadcast_in_dim3A_7 : f32 to vector<10000x7xf32>
    %concatenate3A = tpu.concatenate %slice3A, %broadcast_in_dim3A_6, %broadcast_in_dim3A_8 in 1 : vector<10000x8xf32>, vector<10000x1xf32>, vector<10000x7xf32> -> vector<10000x16xf32>
    %broadcast_in_dim3A_9 = arith.constant 0.000000e+00 : f32
    %broadcast_in_dim3A_10 = vector.broadcast %broadcast_in_dim3A_9 : f32 to vector<8x16xf32>
    %concatenate3A_11 = tpu.concatenate %concatenate3A, %broadcast_in_dim3A_10 in 0 : vector<10000x16xf32>, vector<8x16xf32> -> vector<10008x16xf32>
    %swap3A = arith.constant 0 : index
    %swap3A_12 = arith.constant 0 : index
    %swap3A_13 = vector.load %arg2[%swap3A, %swap3A_12] : memref<10008x16xf32, #tpu.memory_space<vmem>>, vector<10008x16xf32>
    tpu.vector_store %arg2[%swap3A, %swap3A_12], %concatenate3A_11 {strides = array<i32>} : memref<10008x16xf32, #tpu.memory_space<vmem>>, vector<10008x16xf32>,
    %slice3A_14 = vector.extract_strided_slice %dot_general3A_5 {offsets = [0, 8], sizes = [10000, 8], strides = [1, 1]} : vector<10000x16xf32> to vector<10000x8xf32>
    %swap3A_15 = arith.constant 0 : index
    %swap3A_16 = arith.constant 0 : index
    %swap3A_17 = vector.load %arg3[%swap3A_15, %swap3A_16] : memref<10000x8xf32, #tpu.memory_space<vmem>>, vector<10000x8xf32>
    tpu.vector_store %arg3[%swap3A_15, %swap3A_16], %slice3A_14 {strides = array<i32>} : memref<10000x8xf32, #tpu.memory_space<vmem>>, vector<10000x8xf32>,
    return
  }
}

module attributes {stable_mosaic.version = 14 : i64} {
  func.func @_tc2_body(%arg0: memref<2x10000x16xf32, #tpu.memory_space<vmem>>, %arg1: memref<10000x8xf32, #tpu.memory_space<vmem>>, %arg2: memref<1x8xf32, #tpu.memory_space<vmem>>, %arg3: memref<10008x16xf32, #tpu.memory_space<vmem>>) attributes {dimension_semantics = [], scalar_prefetch = 0 : i64, scratch_operands = 0 : i64, tpu.core_type = #tpu.core_type<tc>} {
    %get3A = arith.constant 0 : index
    %get3A_0 = arith.constant 0 : index
    %get3A_1 = arith.constant 0 : index
    %get3A_2 = vector.load %arg0[%get3A, %get3A_0, %get3A_1] : memref<2x10000x16xf32, #tpu.memory_space<vmem>>, vector<1x10000x16xf32>
    %get3A_3 = vector.shape_cast %get3A_2 : vector<1x10000x16xf32> to vector<10000x16xf32>
    %get3A_4 = arith.constant 1 : index
    %get3A_5 = arith.constant 0 : index
    %get3A_6 = arith.constant 0 : index
    %get3A_7 = vector.load %arg0[%get3A_4, %get3A_5, %get3A_6] : memref<2x10000x16xf32, #tpu.memory_space<vmem>>, vector<1x10000x16xf32>
    %get3A_8 = vector.shape_cast %get3A_7 : vector<1x10000x16xf32> to vector<10000x16xf32>
    %add3A = arith.addf %get3A_3, %get3A_8 : vector<10000x16xf32>
    %slice3A = vector.extract_strided_slice %add3A {offsets = [0, 8], sizes = [10000, 1], strides = [1, 1]} : vector<10000x16xf32> to vector<10000x1xf32>
    %max3A = arith.constant 1.000000e+00 : f32
    %max3A_9 = vector.broadcast %max3A : f32 to vector<10000x1xf32>
    %max3A_10 = arith.maximumf %slice3A, %max3A_9 : vector<10000x1xf32>
    %slice3A_11 = vector.extract_strided_slice %add3A {offsets = [0, 0], sizes = [10000, 8], strides = [1, 1]} : vector<10000x16xf32> to vector<10000x8xf32>
    %div3A = vector.broadcast %max3A_10 : vector<10000x1xf32> to vector<10000x8xf32>
    %div3A_12 = arith.divf %slice3A_11, %div3A : vector<10000x8xf32>
    %get3A_13 = arith.constant 0 : index
    %get3A_14 = arith.constant 0 : index
    %get3A_15 = vector.load %arg2[%get3A_13, %get3A_14] : memref<1x8xf32, #tpu.memory_space<vmem>>, vector<1x8xf32>
    %add3A_16 = vector.broadcast %get3A_15 : vector<1x8xf32> to vector<10000x8xf32>
    %add3A_17 = arith.addf %div3A_12, %add3A_16 : vector<10000x8xf32>
    %get3A_18 = arith.constant 0 : index
    %get3A_19 = arith.constant 0 : index
    %get3A_20 = vector.load %arg1[%get3A_18, %get3A_19] : memref<10000x8xf32, #tpu.memory_space<vmem>>, vector<10000x8xf32>
    %add3A_21 = arith.addf %add3A_17, %get3A_20 : vector<10000x8xf32>
    %max3A_22 = arith.constant 0.000000e+00 : f32
    %max3A_23 = vector.broadcast %max3A_22 : f32 to vector<10000x8xf32>
    %max3A_24 = arith.maximumf %add3A_21, %max3A_23 : vector<10000x8xf32>
    %broadcast_in_dim3A = arith.constant 1.000000e+00 : f32
    %broadcast_in_dim3A_25 = vector.broadcast %broadcast_in_dim3A : f32 to vector<10000x1xf32>
    %broadcast_in_dim3A_26 = arith.constant 0.000000e+00 : f32
    %broadcast_in_dim3A_27 = vector.broadcast %broadcast_in_dim3A_26 : f32 to vector<10000x7xf32>
    %concatenate3A = tpu.concatenate %max3A_24, %broadcast_in_dim3A_25, %broadcast_in_dim3A_27 in 1 : vector<10000x8xf32>, vector<10000x1xf32>, vector<10000x7xf32> -> vector<10000x16xf32>
    %broadcast_in_dim3A_28 = arith.constant 0.000000e+00 : f32
    %broadcast_in_dim3A_29 = vector.broadcast %broadcast_in_dim3A_28 : f32 to vector<8x16xf32>
    %concatenate3A_30 = tpu.concatenate %concatenate3A, %broadcast_in_dim3A_29 in 0 : vector<10000x16xf32>, vector<8x16xf32> -> vector<10008x16xf32>
    %swap3A = arith.constant 0 : index
    %swap3A_31 = arith.constant 0 : index
    %swap3A_32 = vector.load %arg3[%swap3A, %swap3A_31] : memref<10008x16xf32, #tpu.memory_space<vmem>>, vector<10008x16xf32>
    tpu.vector_store %arg3[%swap3A, %swap3A_31], %concatenate3A_30 {strides = array<i32>} : memref<10008x16xf32, #tpu.memory_space<vmem>>, vector<10008x16xf32>,
    return
  }
}

module attributes {stable_mosaic.version = 14 : i64} {
  func.func @_tc3_body(%arg0: memref<2x10000x16xf32, #tpu.memory_space<vmem>>, %arg1: memref<10008x16xf32, #tpu.memory_space<vmem>>, %arg2: memref<16x64xf32, #tpu.memory_space<vmem>>, %arg3: memref<16x64xf32, #tpu.memory_space<vmem>>, %arg4: memref<1x64xf32, #tpu.memory_space<vmem>>, %arg5: memref<10000x64xf32, #tpu.memory_space<vmem>>) attributes {dimension_semantics = [], scalar_prefetch = 0 : i64, scratch_operands = 0 : i64, tpu.core_type = #tpu.core_type<tc>} {
    %get3A = arith.constant 0 : index
    %get3A_0 = arith.constant 0 : index
    %get3A_1 = arith.constant 0 : index
    %get3A_2 = vector.load %arg0[%get3A, %get3A_0, %get3A_1] : memref<2x10000x16xf32, #tpu.memory_space<vmem>>, vector<1x10000x16xf32>
    %get3A_3 = vector.shape_cast %get3A_2 : vector<1x10000x16xf32> to vector<10000x16xf32>
    %get3A_4 = arith.constant 1 : index
    %get3A_5 = arith.constant 0 : index
    %get3A_6 = arith.constant 0 : index
    %get3A_7 = vector.load %arg0[%get3A_4, %get3A_5, %get3A_6] : memref<2x10000x16xf32, #tpu.memory_space<vmem>>, vector<1x10000x16xf32>
    %get3A_8 = vector.shape_cast %get3A_7 : vector<1x10000x16xf32> to vector<10000x16xf32>
    %add3A = arith.addf %get3A_3, %get3A_8 : vector<10000x16xf32>
    %slice3A = vector.extract_strided_slice %add3A {offsets = [0, 8], sizes = [10000, 1], strides = [1, 1]} : vector<10000x16xf32> to vector<10000x1xf32>
    %max3A = arith.constant 1.000000e+00 : f32
    %max3A_9 = vector.broadcast %max3A : f32 to vector<10000x1xf32>
    %max3A_10 = arith.maximumf %slice3A, %max3A_9 : vector<10000x1xf32>
    %iota3A = tpu.iota {dimensions = array<i32: 1>} : vector<10000x16xi32>
    %lt3A = arith.constant 8 : i32
    %lt3A_11 = vector.broadcast %lt3A : i32 to vector<10000x16xi32>
    %lt3A_12 = arith.cmpi slt, %iota3A, %lt3A_11 : vector<10000x16xi32>
    %div3A = vector.broadcast %max3A_10 : vector<10000x1xf32> to vector<10000x16xf32>
    %div3A_13 = arith.divf %add3A, %div3A : vector<10000x16xf32>
    %jit3A = arith.constant 0.000000e+00 : f32
    %broadcast_in_dim3A = vector.broadcast %jit3A : f32 to vector<10000x16xf32>
    %select_n3A = arith.select %lt3A_12, %div3A_13, %broadcast_in_dim3A : vector<10000x16xi1>, vector<10000x16xf32>
    %get3A_14 = arith.constant 0 : index
    %get3A_15 = arith.constant 0 : index
    %get3A_16 = vector.load %arg2[%get3A_14, %get3A_15] : memref<16x64xf32, #tpu.memory_space<vmem>>, vector<16x64xf32>
    %dot_general3A = arith.constant dense<0.000000e+00> : vector<10000x64xf32>
    %dot_general3A_17 = tpu.matmul %select_n3A, %get3A_16, %dot_general3A {dimension_numbers = #tpu.dot_dimension_numbers<[1], [0], [0], [1], [0, 0, 1, 1], [], []>, transpose_lhs_hint = false} : vector<10000x16xf32>, vector<16x64xf32>, vector<10000x64xf32> -> vector<10000x64xf32>
    %get3A_18 = arith.constant 0 : index
    %get3A_19 = arith.constant 0 : index
    %get3A_20 = vector.load %arg1[%get3A_18, %get3A_19] : memref<10008x16xf32, #tpu.memory_space<vmem>>, vector<10000x16xf32>
    %get3A_21 = arith.constant 0 : index
    %get3A_22 = arith.constant 0 : index
    %get3A_23 = vector.load %arg3[%get3A_21, %get3A_22] : memref<16x64xf32, #tpu.memory_space<vmem>>, vector<16x64xf32>
    %dot_general3A_24 = arith.constant dense<0.000000e+00> : vector<10000x64xf32>
    %dot_general3A_25 = tpu.matmul %get3A_20, %get3A_23, %dot_general3A_24 {dimension_numbers = #tpu.dot_dimension_numbers<[1], [0], [0], [1], [0, 0, 1, 1], [], []>, transpose_lhs_hint = false} : vector<10000x16xf32>, vector<16x64xf32>, vector<10000x64xf32> -> vector<10000x64xf32>
    %add3A_26 = arith.addf %dot_general3A_17, %dot_general3A_25 : vector<10000x64xf32>
    %get3A_27 = arith.constant 0 : index
    %get3A_28 = arith.constant 0 : index
    %get3A_29 = vector.load %arg4[%get3A_27, %get3A_28] : memref<1x64xf32, #tpu.memory_space<vmem>>, vector<1x64xf32>
    %add3A_30 = vector.broadcast %get3A_29 : vector<1x64xf32> to vector<10000x64xf32>
    %add3A_31 = arith.addf %add3A_26, %add3A_30 : vector<10000x64xf32>
    %reduce_max3A = arith.constant dense<0xFF800000> : vector<10000xf32>
    %reduce_max3A_32 = vector.multi_reduction <maximumf>, %add3A_31, %reduce_max3A [1] : vector<10000x64xf32> to vector<10000xf32>
    %broadcast_in_dim3A_33 = vector.shape_cast %reduce_max3A_32 : vector<10000xf32> to vector<10000x1xf32>
    %sub3A = vector.broadcast %broadcast_in_dim3A_33 : vector<10000x1xf32> to vector<10000x64xf32>
    %sub3A_34 = arith.subf %add3A_31, %sub3A : vector<10000x64xf32>
    %sub3A_35 = vector.broadcast %broadcast_in_dim3A_33 : vector<10000x1xf32> to vector<10000x64xf32>
    %sub3A_36 = arith.subf %add3A_31, %sub3A_35 : vector<10000x64xf32>
    %exp3A = math.exp %sub3A_36 : vector<10000x64xf32>
    %reduce_sum3A = arith.constant dense<0.000000e+00> : vector<10000xf32>
    %reduce_sum3A_37 = vector.multi_reduction <add>, %exp3A, %reduce_sum3A [1] : vector<10000x64xf32> to vector<10000xf32>
    %broadcast_in_dim3A_38 = vector.shape_cast %reduce_sum3A_37 : vector<10000xf32> to vector<10000x1xf32>
    %log3A = math.log %broadcast_in_dim3A_38 : vector<10000x1xf32>
    %sub3A_39 = vector.broadcast %log3A : vector<10000x1xf32> to vector<10000x64xf32>
    %sub3A_40 = arith.subf %sub3A_34, %sub3A_39 : vector<10000x64xf32>
    %swap3A = arith.constant 0 : index
    %swap3A_41 = arith.constant 0 : index
    %swap3A_42 = vector.load %arg5[%swap3A, %swap3A_41] : memref<10000x64xf32, #tpu.memory_space<vmem>>, vector<10000x64xf32>
    tpu.vector_store %arg5[%swap3A, %swap3A_41], %sub3A_40 {strides = array<i32>} : memref<10000x64xf32, #tpu.memory_space<vmem>>, vector<10000x64xf32>,
    return
  }
}

</mosaic_0001>

<sc_bundles>
// kernel: kernel.10.cloned.1.call-start
scs
__scs_entry_jumppad:
0x0: {  	(pc) =	sbr.rel $0x88, $3  }
0x1: {  	(tag) =	ssettag $0x0;
	lr =	simm.s32 $0x1  }
0x2: {  	[smem:$0x3F99] =	sst lr;
	_ =	strace $0xD0000000  }
0x3: {  	_ = 	snop  }
0x4: {  	_ = 	snop  }
0x5: {  	_ = 	snop  }
0x6: {  	_ = 	snop  }
0x7: {  	_ = 	snop  }
__scs_overlays_trampoline_lowered:
0x8: {  	[smem:$0x3FA8] =	sst s0  }
0x9: {  	[smem:$0x3FA9] =	sst s1  }
0xa: {  	[smem:$0x3FAA] =	sst s2  }
0xb: {  	[smem:$0x3FAB] =	sst s3  }
0xc: {  	[smem:$0x3FAC] =	sst s4  }
0xd: {  	[smem:$0x3FAD] =	sst s5  }
0xe: {  	[smem:$0x3FAE] =	sst s6  }
0xf: {  	[smem:$0x3FAF] =	sst s7  }
0x10: {  	[smem:$0x3FB0] =	sst s8  }
0x11: {  	[smem:$0x3FB1] =	sst s9;
	s0 =	simm.s32 @!p0 $0x0  }
0x12: {  	s1 =	sld [smem:$0x3F97];
	s0 =	simm.s32 @p0 $0x1  }
0x13: {  	[smem:$0x3FB2] =	sst s0;
	s0 =	simm.s32 @!p1 $0x0  }
0x14: {  	s2 =	sld [smem:$0x3F96];
	s0 =	simm.s32 @p1 $0x1  }
0x15: {  	[smem:$0x3FB3] =	sst s0;
	s0 =	simm.s32 @!p2 $0x0  }
0x16: {  	s3 =	sld [smem:$0x3FDB];
	s0 =	simm.s32 @p2 $0x1  }
0x17: {  	s4 =	simm.s32 $0x1BF5;
	[smem:$0x3FB5] =	sst s0  }
0x18: {  	s0 =	sld [smem:$0x3F98];
	_ =	swait.ge [sflag:s4], $0x0  }
0x19: {  	s7 =	sld [smem:$0x3F99]  }
0x1a: {  	s8 =	sadd.s32 $0xFFFFE003, lr  }
0x1b: {  	s9 =	sadd.s32 $0xFFFFFEF7, lr;
	s5 =	simm.s32 $0xFFFFFFFF;
	p2 =	slt.u32 s8, $0xFFFFF086  }
0x1c: {  	p1 =	slt.u32 s9, $0xF7A;
	s5 =	simm.s32 @!p2 $0x0  }
0x1d: {  	s5 =	simm.s32 @p1 $0x1;
	p0 =	seq.s32 s7, s2  }
0x1e: {  	s7 =	smul.u32 @!p0 $0xF7A, s2;
	p2 =	seq.s32 @!p0 s5, $0x0  }
0x1f: {  	s9 =	smul.u32 $0xF7A, s1;
	s8 =	simm.s32 @!p0 $0x1BF5;
	p2 =	por !p2, p0  }
0x20: {  	[sflag:s8] =	ssyncset.s32 @!p0 $0xFFFFF086;
	s6 =	sadd.s32 @!p0 s3, s7;
	s7 =	simm.s32 @!p0 $0x108  }
0x21: {  	s3 =	sadd.s32 s3, s9;
	s6 =	sadd.s32 @!p0 $0x88, s6;
	s7 =	simm.s32 @p2 $0x1082  }
0x22: {  	[simem:s7], [sflag:s8] =	dma.local @!p0 [hbm:s6], $0xF7A  }
0x23: {  	s9 =	sor.u32 $0xD0000000, s2;
	s6 =	simm.s32 $0x108;
	_ =	swait.ge @!p0 [sflag:s8], $0x0  }
0x24: {  	s3 =	sadd.s32 $0x88, s3;
	s6 =	simm.s32 @!p1 $0x1082;
	[sflag:s4] =	ssyncset.s32 $0xFFFFF086  }
0x25: {  	[simem:s6], [sflag:s4] =	dma.local [hbm:s3], $0xF7A  }
0x26: {  	[smem:$0x3F99] =	sst s1;
	(tag) =	ssettag s2;
	_ =	strace s9  }
0x27: {  	s1 =	sld [smem:$0x3FA9]  }
0x28: {  	s2 =	sld [smem:$0x3FAA]  }
0x29: {  	s4 =	sld [smem:$0x3FAC]  }
0x2a: {  	p0 =	seq.s32 s5, $0x0;
	s5 =	sld [smem:$0x3FAD]  }
0x2b: {  	s6 =	sld [smem:$0x3FAE]  }
0x2c: {  	s7 =	sld [smem:$0x3FAF]  }
0x2d: {  	s3 =	simm.s32 $0x108;
	s8 =	sld [smem:$0x3FB0]  }
0x2e: {  	s3 =	simm.s32 @!p0 $0x1082;
	s9 =	sld [smem:$0x3FB1]  }
0x2f: {  	lr =	sadd.s32 s0, s3;
	s0 =	sld [smem:$0x3FA8]  }
0x30: {  	s3 =	sld [smem:$0x3FAB]  }
0x31: {  	[smem:$0x3FB4] =	sst s10  }
0x32: {  	s10 =	sld [smem:$0x3FB2];
	_ =	sdelay $0x3  }
0x33: {  	p0 =	seq.s32 s10, $0x1;
	s10 =	sld [smem:$0x3FB4];
	_ =	sdelay $0x3  }
0x34: {  	[smem:$0x3FB4] =	sst s10  }
0x35: {  	s10 =	sld [smem:$0x3FB3];
	_ =	sdelay $0x3  }
0x36: {  	p1 =	seq.s32 s10, $0x1;
	s10 =	sld [smem:$0x3FB4];
	_ =	sdelay $0x3  }
0x37: {  	[smem:$0x3FB4] =	sst s10  }
0x38: {  	s10 =	sld [smem:$0x3FB5]  }
0x39: {  	_ = 	snop;
	(pc) =	sbr.ind lr, $3  }
0x3a: {  	_ = 	snop  }
0x3b: {  	_ = 	snop  }
0x3c: {  	p2 =	seq.s32 s10, $0x1;
	s10 =	sld [smem:$0x3FB4]  }
0x3d: {  	_ =	shalt  }
0x3e: {  	_ =	shalt  }
0x3f: {  	_ =	shalt  }
0x40: {  	_ =	shalt  }
0x41: {  	_ =	shalt  }
0x42: {  	_ =	shalt  }
0x43: {  	_ =	shalt  }
0x44: {  	_ =	shalt  }
0x45: {  	_ =	shalt  }
0x46: {  	_ =	shalt  }
0x47: {  	_ =	shalt  }
0x48: {  	_ =	shalt  }
0x49: {  	_ =	shalt  }
0x4a: {  	_ =	shalt  }
0x4b: {  	_ =	shalt  }
0x4c: {  	_ =	shalt  }
0x4d: {  	_ =	shalt  }
0x4e: {  	_ =	shalt  }
0x4f: {  	_ =	shalt  }
0x50: {  	_ =	shalt  }
0x51: {  	_ =	shalt  }
0x52: {  	_ =	shalt  }
0x53: {  	_ =	shalt  }
0x54: {  	_ =	shalt  }
0x55: {  	_ =	shalt  }
0x56: {  	_ =	shalt  }
0x57: {  	_ =	shalt  }
0x58: {  	_ =	shalt  }
0x59: {  	_ =	shalt  }
0x5a: {  	_ =	shalt  }
0x5b: {  	_ =	shalt  }
0x5c: {  	_ =	shalt  }
0x5d: {  	_ =	shalt  }
0x5e: {  	_ =	shalt  }
0x5f: {  	_ =	shalt  }
0x60: {  	_ =	shalt  }
0x61: {  	_ =	shalt  }
0x62: {  	_ =	shalt  }
0x63: {  	_ =	shalt  }
0x64: {  	_ =	shalt  }
0x65: {  	_ =	shalt  }
0x66: {  	_ =	shalt  }
0x67: {  	_ =	shalt  }
0x68: {  	_ =	shalt  }
0x69: {  	_ =	shalt  }
0x6a: {  	_ =	shalt  }
0x6b: {  	_ =	shalt  }
0x6c: {  	_ =	shalt  }
0x6d: {  	_ =	shalt  }
0x6e: {  	_ =	shalt  }
0x6f: {  	_ =	shalt  }
0x70: {  	_ =	shalt  }
0x71: {  	_ =	shalt  }
0x72: {  	_ =	shalt  }
0x73: {  	_ =	shalt  }
0x74: {  	_ =	shalt  }
0x75: {  	_ =	shalt  }
0x76: {  	_ =	shalt  }
0x77: {  	_ =	shalt  }
0x78: {  	_ =	shalt  }
0x79: {  	_ =	shalt  }
0x7a: {  	_ =	shalt  }
0x7b: {  	_ =	shalt  }
0x7c: {  	_ =	shalt  }
0x7d: {  	_ =	shalt  }
0x7e: {  	_ =	shalt  }
0x7f: {  	_ =	shalt  }
0x80: {  	_ =	shalt  }
0x81: {  	_ =	shalt  }
0x82: {  	_ =	shalt  }
0x83: {  	_ =	shalt  }
0x84: {  	_ =	shalt  }
0x85: {  	_ =	shalt  }
0x86: {  	_ =	shalt  }
0x87: {  	_ =	shalt  }
.Lfunc_end0:
.L_simem_size_0:
called_computation.1_lowered:
.L_overlay_start_0:
0x88: {  	s2 =	sld [smem:$0x3FD9]  }
0x89: {  	s3 =	sld [smem:$0x3FFE];
	_ =	sdelay $0x1  }
0x8a: {  	s1 =	srdreg.scid  }
0x8b: {  	s0 =	sand.u32 $0x1, s1  }
0x8c: {  	s17 =	sshll.u32 s0, $0xA;
	s2 =	sadd.s32 s3, s2  }
0x8d: {  	s2 =	sadd.s32 s2, s17  }
0x8e: {  	[smem:$0x3FC0] =	sst s2  }
0x8f: {  	_ = 	snop  }
0x90: {  	s2 =	sld [smem:$0x3FD0];
	(tm) =	ssettm $0x1  }
0x91: {  	s18 =	sld [smem:$0x3FFB];
	_ =	sdelay $0x3  }
0x92: {  	_ =	strace s18  }
0x93: {  	s3 =	sld [smem:$0x3FFC];
	_ =	sdelay $0x3  }
0x94: {  	_ =	strace s3  }
0x95: {  	s3 =	sld [smem:$0x3FFD];
	_ =	sdelay $0x3  }
0x96: {  	_ =	strace s3  }
0x97: {  	_ =	strace $0x8FFFFFFF  }
0x98: {  	s19 =	sld [smem:$0x3FDB];
	_ =	sdelay $0x1  }
0x99: {  	s4 =	simm.s32 $_scs_section_size  }
0x9a: {  	s5 =	simm.s32 $_size__tile_overlayer_lowered;
	s6 =	simm.s32 $_tile_overlayer_lowered  }
0x9b: {  	s22 =	simm.s32 $0x1BFF;
	s21 =	sshll.u32 s6, $0x1;
	s3 =	sadd.s32 s4, s19  }
0x9c: {  	s7 =	simm.s32 $0x0;
	s20 =	sshll.u32 s5, $0x1;
	s5 =	sadd.s32 s21, s3  }
0x9d: {  	[timem:s7], [sflag:s22] =	dma.local [hbm:s5], s20  }
0x9e: {  	_ =	swait.ge [sflag:s22], s20  }
0x9f: {  	s4 =	ssub.s32 $0x0, s20;
	[sflag:s22] =	ssyncset.done $0x0  }
0xa0: {  	[sflag:s22] =	ssyncadd.s32 s4;
	_ =	sdelay $0x1  }
0xa1: {  	s23 =	simm.s32 $0x1B8B  }
0xa2: {  	_ =	swait.ge [sflag:s23], $0x1  }
0xa3: {  	[sflag:s23] =	ssyncset.done $0x0  }
0xa4: {  	s25 =	simm.s32 $0x1B8E;
	s24 =	sld [smem:$0x3FFE];
	[sflag:s23] =	ssyncadd.s32 $0xFFFFFFFF  }
0xa5: {  	s26 =	simm.s32 $execute0_lowered;
	[smem:$0x3FD2] =	sst s25  }
0xa6: {  	s5 =	sshll.u32 s26, $0x1;
	_ =	strace $0x80000049;
	[dreg:$0x1] =	wrdreg $0xFFFFFFFF  }
0xa7: {  	s28 =	simm.s32 $_size_execute0_lowered;
	s3 =	sadd.s32 s3, s5;
	[dreg:$0x0] =	wrdreg $0x0  }
0xa8: {  	s5 =	sshll.u32 s28, $0x1;
	[dreg:$0x2] =	wrdreg s3  }
0xa9: {  	[dreg:$0x3] =	wrdreg s5  }
0xaa: {  	[dreg:$0x4] =	wrdreg $0xC0  }
0xab: {  	_ =	task [dreg:s7], $0x5FFFF  }
0xac: {  	[dreg:$0x1] =	wrdreg $0xFFFFFFFF  }
0xad: {  	[dreg:$0x0] =	wrdreg $0x60  }
0xae: {  	[dreg:$0x2] =	wrdreg s24  }
0xaf: {  	[dreg:$0x3] =	wrdreg s2  }
0xb0: {  	[dreg:$0x4] =	wrdreg $0xD5980  }
0xb1: {  	[dreg:$0x5] =	wrdreg $0xAE800  }
0xb2: {  	[dreg:$0x6] =	wrdreg $0x9  }
0xb3: {  	_ =	task.clear_ibuf [dreg:s7], $0x7FFFF;
	_ =	strace $0x90000049  }
0xb4: {  	s29 =	simm.s32 $0x9;
	_ =	strace $0x8000004B  }
0xb5: {  	_ =	swait.ge [sflag:s29], $0x1  }
0xb6: {  	[sflag:s29] =	ssyncadd.s32 $0xFFFFFFFF  }
0xb7: {  	_ =	strace $0x9000004B  }
0xb8: {  	_ =	sfence  }
0xb9: {  	s30 =	sld [smem:$0x0];
	_ =	sdelay $0x2  }
0xba: {  	s31 =	sshll.u32 s1, $0xD;
	s1 =	sshrl.u32 s1, $0x2  }
0xbb: {  	s3 =	sand.u32 $0x4000, s31;
	s1 =	sadd.s32 s1, s30  }
0xbc: {  	s0 =	sor.u32 s3, s0;
	s1 =	sshll.u32 s1, $0x11  }
0xbd: {  	s0 =	sor.u32 s1, s0  }
0xbe: {  	s0 =	sadd.s32 $0x8F2B, s0  }
0xbf: {  	[sflag:s0] =	ssyncadd.remote.s32 $0x1  }
0xc0: {  	_ =	sfence.sel $0xFFFF  }
0xc1: {  	[dreg:$0x0] =	wrdreg $0xFFFFFFFF;
	(pc) =	sbr.abs _section_cstart, $3  }
0xc2: {  	[dreg:$0x1] =	wrdreg $0xFFFFFFFF  }
0xc3: {  	_ =	task.clear_ibuf [dreg:s7], $0x2FFFF;
	_ =	strace $0x9FFFFFFF  }
0xc4: {  	(tm) =	ssettm $0x7FFFFFFF  }
0xc5: {  	_ =	shalt  }
tec
execute0_lowered:
.L_overlay_start_1:
0x0: {  	(tag) =	ssettag $0x1  }
0x1: {  	s1 =	rddreg [dreg:$0x0]  }
0x2: {  	s6 =	rddreg [dreg:$0x1]  }
0x3: {  	s0 =	srdreg.scid;
	s2 =	rddreg [dreg:$0x2];
	s16 =	simm.s32 $0x80  }
0x4: {  	s17 =	simm.s32 $0x5000;
	s18 =	simm.s32 $0x5800;
	s19 =	simm.s32 $0x100  }
0x5: {  	s20 =	simm.s32 $0x6000;
	s21 =	simm.s32 $0x180;
	s22 =	simm.s32 $0x6800  }
0x6: {  	s23 =	simm.s32 $0x1;
	s24 =	simm.s32 $0x2;
	s28 =	simm.s32 $0x4E00  }
0x7: {  	s29 =	simm.s32 $0x4E80;
	s5 =	sand.u32 $0x1, s0;
	s0 =	stileid.u32  }
0x8: {  	s30 =	simm.s32 $0x4F00;
	s31 =	simm.s32 $0x4F80;
	s8 =	smul.u32 $0x3E80, s0  }
0x9: {  	s3 =	sshll.u32 s5, $0x4;
	s9 =	smul.u32 $0x27100, s5;
	s5 =	ssub.s32 $0x2, s5  }
0xa: {  	p0 =	sgt.u32 s0, $0x9;
	s26 =	sshll.u32 s0, $0x6;
	s4 =	sor.u32 s0, s3  }
0xb: {  	s3 =	rddreg [dreg:$0x3];
	s12 =	sshrl.u32 s5, $0x1;
	s13 =	sor.u32 $0x1C05, s26  }
0xc: {  	s26 =	simm.s32 $0x4;
	s7 =	smul.u32 $0x500, s4;
	s4 =	simm.s32 $0x0  }
0xd: {  	s9 =	sadd.s32 s8, s9;
	s11 =	sshrl.u32 s8, $0x3;
	s12 =	ssub.s32 s5, s12  }
0xe: {  	s14 =	sadd.s32 s8, s2;
	s8 =	sadd.s32 s8, s3;
	[smem:$0x7FF] =	sst s4  }
0xf: {  	s9 =	sshrl.u32 s9, $0x3;
	s11 =	sadd.s32 s11, s1;
	s14 =	sshrl.u32 s14, $0x3  }
0x10: {  	_ =	strace $0x8000004A;
	s10 =	sadd.s32 s7, s1;
	s1 =	sadd.s32 s9, s1  }
0x11: {  	s6 =	sadd.s32 s6, s7;
	s25 =	sadd.s32 $0xC200, s11;
	s11 =	simm.s32 $0x5  }
0x12: {  	s5 =	sadd.s32 $0x2200, s10;
	[dreg:$0x5] =	wrdreg s25;
	s9 =	sadd.s32 $0x11200, s1  }
0x13: {  	v0 =	vimm.f32 $0.0e+00;
	s10 =	smax.u32 s12, $0x1;
	s25 =	simm.s32 $0x3;
	s1 =	simm.s32 $0x0  }
.LBB2_1:
0x14: {  	[tilespmem:s4], [sflag:$0x5] =	stream.linear.gather [hbm4b:s5+s4], $0x2800, $0x38;
	[tilespmem:$0xFCB0] =	vst v63  }
0x15: {  	_ =	swait.ge [sflag:s11], $0x2800  }
0x16: {  	[sflag:s11] =	ssyncset.done $0x0  }
.Ltmp0:
0x17: {  	s7 =	simm.s32 $0x2800;
	[sflag:s11] =	ssyncadd.s32 $0xFFFFD800;
	(pc) =	sbr.rel @p0 .LBB2_5-.Ltmp0, $4  }
0x18: {  	[tilespmem:s7], [sflag:$0x5] =	stream.linear.gather [hbm4b:s6+s4], $0x2800, $0x38;
	[tilespmem:$0xFCB0] =	vst v63  }
0x19: {  	_ =	swait.ge [sflag:s11], $0x2800  }
0x1a: {  	[sflag:s11] =	ssyncset.done $0x0  }
0x1b: {  	[sflag:s11] =	ssyncadd.s32 $0xFFFFD800  }
0x1c: {  	s7 =	rddreg [dreg:$0x5]  }
0x1d: {  	[spmem:s14], [sflag:s13] =	dma.local [hbm:s7], $0x7D0  }
0x1e: {  	_ =	swait.ge [sflag:s11], $0x7D0  }
0x1f: {  	[sflag:s11] =	ssyncset.done $0x0  }
0x20: {  	s12 =	simm.s32 $0x7040;
	[sflag:s11] =	ssyncadd.s32 $0xFFFFF830  }
0x21: {  	[tilespmem:s12+$0xFFFFFFC0] =	vst v0  }
0x22: {  	[tilespmem:s12+$0x30] =	vst v0  }
0x23: {  	[tilespmem:s12+$0x20] =	vst v0  }
0x24: {  	[tilespmem:s12+$0x10] =	vst v0  }
0x25: {  	[tilespmem:s12+$0x0] =	vst v0  }
0x26: {  	[tilespmem:s12+$0xFFFFFFF0] =	vst v0  }
0x27: {  	s15 =	simm.s32 $0x0;
	[tilespmem:s12+$0xFFFFFFE0] =	vst v0  }
.LBB2_3:
0x28: {  	s15 =	sadd.s32 $0x8, s15;
	[tilespmem:s12+$0xFFFFFFD0] =	vst v0;
	s12 =	sadd.s32 $0x80, s12  }
0x29: {  	[tilespmem:s12+$0xFFFFFFC0] =	vst v0;
	p1 =	slt.u32 s15, $0x3E0  }
0x2a: {  	[tilespmem:s12+$0x30] =	vst v0  }
.Ltmp1:
0x2b: {  	[tilespmem:s12+$0x20] =	vst v0;
	(pc) =	sbr.rel @p1 .LBB2_3-.Ltmp1, $4  }
0x2c: {  	[tilespmem:s12+$0x10] =	vst v0  }
0x2d: {  	[tilespmem:s12+$0x0] =	vst v0  }
0x2e: {  	[tilespmem:s12+$0xFFFFFFF0] =	vst v0  }
0x2f: {  	[tilespmem:s12+$0xFFFFFFE0] =	vst v0  }
0x30: {  	[tilespmem:s12+$0xFFFFFFD0] =	vst v0;
	s7 =	simm.s32 $0x7000  }
0x31: {  	[spmem:s8] =	stream.linear.scatter [tilespmem:s7], [sflag:$0x5], $0x3E80, $0x38;
	[tilespmem:$0xFCB0] =	vst v63  }
0x32: {  	_ =	swait.ge [sflag:s11], $0x3E80  }
0x33: {  	[sflag:s11] =	ssyncset.done $0x0  }
0x34: {  	[sflag:s11] =	ssyncadd.s32 $0xFFFFC180  }
.LBB2_5:
0x35: {  	[bflag:$0x0] =	sbarrier.arrive $0xFFFF;
	s12 =	simm.s32 $0x0  }
0x36: {  	[tilespmem:s17], [sflag:$0x1] =	stream.indirect.gather [spmem:s2], $0x10, s12, s16, $0xb8;
	[tilespmem:$0xFCB0] =	vst v63  }
0x37: {  	_ = 	snop  }
0x38: {  	[tilespmem:s18], [sflag:$0x2] =	stream.indirect.gather [spmem:s2], $0x10, s16, s16, $0xb8;
	[tilespmem:$0xFCB0] =	vst v63  }
0x39: {  	_ = 	snop  }
0x3a: {  	[tilespmem:s20], [sflag:$0x3] =	stream.indirect.gather [spmem:s2], $0x10, s19, s16, $0xb8;
	[tilespmem:$0xFCB0] =	vst v63  }
0x3b: {  	_ = 	snop  }
0x3c: {  	[tilespmem:s22], [sflag:$0x4] =	stream.indirect.gather [spmem:s2], $0x10, s21, s16, $0xb8;
	[tilespmem:$0xFCB0] =	vst v63  }
0x3d: {  	_ =	swait.ge [sflag:s23], $0x800  }
0x3e: {  	[sflag:s23] =	ssyncset.done $0x0  }
0x3f: {  	s15 =	simm.s32 $0x2800;
	[sflag:s23] =	ssyncadd.s32 $0xFFFFF800  }
0x40: {  	[spmem:s3] =	stream.indirect.scatter.add.f32 [tilespmem:s17], [sflag:$0x5], $0x10, s15, s16, $0xb8;
	[tilespmem:$0xFCB0] =	vst v63  }
0x41: {  	_ =	swait.ge [sflag:s11], $0x800  }
0x42: {  	[sflag:s11] =	ssyncset.done $0x0  }
0x43: {  	s7 =	simm.s32 $0x200;
	[sflag:s11] =	ssyncadd.s32 $0xFFFFF800  }
0x44: {  	[tilespmem:s17], [sflag:$0x1] =	stream.indirect.gather [spmem:s2], $0x10, s7, s16, $0xb8;
	[tilespmem:$0xFCB0] =	vst v63  }
0x45: {  	_ =	swait.ge [sflag:s24], $0x800  }
0x46: {  	[sflag:s24] =	ssyncset.done $0x0  }
0x47: {  	s15 =	simm.s32 $0x2880;
	[sflag:s24] =	ssyncadd.s32 $0xFFFFF800  }
0x48: {  	[spmem:s3] =	stream.indirect.scatter.add.f32 [tilespmem:s18], [sflag:$0x5], $0x10, s15, s16, $0xb8;
	[tilespmem:$0xFCB0] =	vst v63  }
0x49: {  	_ =	swait.ge [sflag:s11], $0x800  }
0x4a: {  	[sflag:s11] =	ssyncset.done $0x0  }
0x4b: {  	s7 =	simm.s32 $0x280;
	[sflag:s11] =	ssyncadd.s32 $0xFFFFF800  }
0x4c: {  	[tilespmem:s18], [sflag:$0x2] =	stream.indirect.gather [spmem:s2], $0x10, s7, s16, $0xb8;
	[tilespmem:$0xFCB0] =	vst v63  }
0x4d: {  	_ =	swait.ge [sflag:s25], $0x800  }
0x4e: {  	[sflag:s25] =	ssyncset.done $0x0  }
0x4f: {  	s15 =	simm.s32 $0x2900;
	[sflag:s25] =	ssyncadd.s32 $0xFFFFF800  }
0x50: {  	[spmem:s3] =	stream.indirect.scatter.add.f32 [tilespmem:s20], [sflag:$0x5], $0x10, s15, s16, $0xb8;
	[tilespmem:$0xFCB0] =	vst v63  }
0x51: {  	_ =	swait.ge [sflag:s11], $0x800  }
0x52: {  	[sflag:s11] =	ssyncset.done $0x0  }
0x53: {  	s7 =	simm.s32 $0x300;
	[sflag:s11] =	ssyncadd.s32 $0xFFFFF800  }
0x54: {  	[tilespmem:s20], [sflag:$0x3] =	stream.indirect.gather [spmem:s2], $0x10, s7, s16, $0xb8;
	[tilespmem:$0xFCB0] =	vst v63  }
0x55: {  	_ =	swait.ge [sflag:s26], $0x800  }
0x56: {  	[sflag:s26] =	ssyncset.done $0x0  }
0x57: {  	s15 =	simm.s32 $0x2980;
	[sflag:s26] =	ssyncadd.s32 $0xFFFFF800  }
0x58: {  	[spmem:s3] =	stream.indirect.scatter.add.f32 [tilespmem:s22], [sflag:$0x5], $0x10, s15, s16, $0xb8;
	[tilespmem:$0xFCB0] =	vst v63  }
0x59: {  	_ =	swait.ge [sflag:s11], $0x800  }
0x5a: {  	[sflag:s11] =	ssyncset.done $0x0  }
0x5b: {  	s12 =	simm.s32 $0x380;
	s15 =	simm.s32 $0x800;
	[sflag:s11] =	ssyncadd.s32 $0xFFFFF800  }
.LBB2_6:
0x5c: {  	[tilespmem:s22], [sflag:$0x4] =	stream.indirect.gather [spmem:s2], $0x10, s12, s16, $0xb8;
	[tilespmem:$0xFCB0] =	vst v63  }
0x5d: {  	s12 =	smov.u32 s15  }
0x5e: {  	p1 =	sne.s32 s15, $0x9000;
	s15 =	sadd.s32 $0x800, s15;
	_ =	swait.ge [sflag:s23], $0x800  }
0x5f: {  	s12 =	sshra.s32 s12, $0x2;
	[sflag:s23] =	ssyncset.done $0x0  }
0x60: {  	s7 =	sadd.s32 $0x2800, s12;
	[sflag:s23] =	ssyncadd.s32 $0xFFFFF800  }
0x61: {  	[spmem:s3] =	stream.indirect.scatter.add.f32 [tilespmem:s17], [sflag:$0x5], $0x10, s7, s16, $0xb8;
	[tilespmem:$0xFCB0] =	vst v63  }
0x62: {  	_ =	swait.ge [sflag:s11], $0x800  }
0x63: {  	[sflag:s11] =	ssyncset.done $0x0  }
0x64: {  	s7 =	sadd.s32 $0x200, s12;
	[sflag:s11] =	ssyncadd.s32 $0xFFFFF800  }
0x65: {  	[tilespmem:s17], [sflag:$0x1] =	stream.indirect.gather [spmem:s2], $0x10, s7, s16, $0xb8;
	[tilespmem:$0xFCB0] =	vst v63  }
0x66: {  	_ =	swait.ge [sflag:s24], $0x800  }
0x67: {  	[sflag:s24] =	ssyncset.done $0x0  }
0x68: {  	s7 =	sadd.s32 $0x2880, s12;
	[sflag:s24] =	ssyncadd.s32 $0xFFFFF800  }
0x69: {  	[spmem:s3] =	stream.indirect.scatter.add.f32 [tilespmem:s18], [sflag:$0x5], $0x10, s7, s16, $0xb8;
	[tilespmem:$0xFCB0] =	vst v63  }
0x6a: {  	_ =	swait.ge [sflag:s11], $0x800  }
0x6b: {  	[sflag:s11] =	ssyncset.done $0x0  }
0x6c: {  	s7 =	sadd.s32 $0x280, s12;
	[sflag:s11] =	ssyncadd.s32 $0xFFFFF800  }
0x6d: {  	[tilespmem:s18], [sflag:$0x2] =	stream.indirect.gather [spmem:s2], $0x10, s7, s16, $0xb8;
	[tilespmem:$0xFCB0] =	vst v63  }
0x6e: {  	_ =	swait.ge [sflag:s25], $0x800  }
0x6f: {  	[sflag:s25] =	ssyncset.done $0x0  }
0x70: {  	s7 =	sadd.s32 $0x2900, s12;
	[sflag:s25] =	ssyncadd.s32 $0xFFFFF800  }
0x71: {  	[spmem:s3] =	stream.indirect.scatter.add.f32 [tilespmem:s20], [sflag:$0x5], $0x10, s7, s16, $0xb8;
	[tilespmem:$0xFCB0] =	vst v63  }
0x72: {  	_ =	swait.ge [sflag:s11], $0x800  }
0x73: {  	[sflag:s11] =	ssyncset.done $0x0  }
0x74: {  	s7 =	sadd.s32 $0x300, s12;
	[sflag:s11] =	ssyncadd.s32 $0xFFFFF800  }
0x75: {  	[tilespmem:s20], [sflag:$0x3] =	stream.indirect.gather [spmem:s2], $0x10, s7, s16, $0xb8;
	[tilespmem:$0xFCB0] =	vst v63  }
0x76: {  	_ =	swait.ge [sflag:s26], $0x800  }
0x77: {  	[sflag:s26] =	ssyncset.done $0x0  }
.Ltmp2:
0x78: {  	s7 =	sadd.s32 $0x2980, s12;
	[sflag:s26] =	ssyncadd.s32 $0xFFFFF800;
	(pc) =	sbr.rel @p1 .LBB2_6-.Ltmp2, $4  }
0x79: {  	[spmem:s3] =	stream.indirect.scatter.add.f32 [tilespmem:s22], [sflag:$0x5], $0x10, s7, s16, $0xb8;
	[tilespmem:$0xFCB0] =	vst v63  }
0x7a: {  	_ =	swait.ge [sflag:s11], $0x800  }
0x7b: {  	[sflag:s11] =	ssyncset.done $0x0  }
0x7c: {  	s12 =	sadd.s32 $0x380, s12;
	[sflag:s11] =	ssyncadd.s32 $0xFFFFF800  }
0x7d: {  	[tilespmem:s22], [sflag:$0x4] =	stream.indirect.gather [spmem:s2], $0x10, s12, s16, $0xb8;
	[tilespmem:$0xFCB0] =	vst v63  }
0x7e: {  	_ =	swait.ge [sflag:s23], $0x800  }
0x7f: {  	[sflag:s23] =	ssyncset.done $0x0  }
0x80: {  	[sflag:s23] =	ssyncadd.s32 $0xFFFFF800  }
0x81: {  	[spmem:s3] =	stream.indirect.scatter.add.f32 [tilespmem:s17], [sflag:$0x5], $0x10, s28, s16, $0xb8;
	[tilespmem:$0xFCB0] =	vst v63  }
0x82: {  	_ =	swait.ge [sflag:s11], $0x800  }
0x83: {  	[sflag:s11] =	ssyncset.done $0x0  }
0x84: {  	[sflag:s11] =	ssyncadd.s32 $0xFFFFF800  }
0x85: {  	_ =	swait.ge [sflag:s24], $0x800  }
0x86: {  	[sflag:s24] =	ssyncset.done $0x0  }
0x87: {  	[sflag:s24] =	ssyncadd.s32 $0xFFFFF800  }
0x88: {  	[spmem:s3] =	stream.indirect.scatter.add.f32 [tilespmem:s18], [sflag:$0x5], $0x10, s29, s16, $0xb8;
	[tilespmem:$0xFCB0] =	vst v63  }
0x89: {  	_ =	swait.ge [sflag:s11], $0x800  }
0x8a: {  	[sflag:s11] =	ssyncset.done $0x0  }
0x8b: {  	[sflag:s11] =	ssyncadd.s32 $0xFFFFF800  }
0x8c: {  	_ =	swait.ge [sflag:s25], $0x800  }
0x8d: {  	[sflag:s25] =	ssyncset.done $0x0  }
0x8e: {  	[sflag:s25] =	ssyncadd.s32 $0xFFFFF800  }
0x8f: {  	[spmem:s3] =	stream.indirect.scatter.add.f32 [tilespmem:s20], [sflag:$0x5], $0x10, s30, s16, $0xb8;
	[tilespmem:$0xFCB0] =	vst v63  }
0x90: {  	_ =	swait.ge [sflag:s11], $0x800  }
0x91: {  	[sflag:s11] =	ssyncset.done $0x0  }
0x92: {  	[sflag:s11] =	ssyncadd.s32 $0xFFFFF800  }
0x93: {  	_ =	swait.ge [sflag:s26], $0x800  }
0x94: {  	[sflag:s26] =	ssyncset.done $0x0  }
0x95: {  	[sflag:s26] =	ssyncadd.s32 $0xFFFFF800  }
0x96: {  	[spmem:s3] =	stream.indirect.scatter.add.f32 [tilespmem:s22], [sflag:$0x5], $0x10, s31, s16, $0xb8;
	[tilespmem:$0xFCB0] =	vst v63  }
0x97: {  	_ =	swait.ge [sflag:s11], $0x800  }
0x98: {  	s7 =	sshll.u32 @!p0 s0, $0x6;
	[sflag:s11] =	ssyncset.done $0x0  }
0x99: {  	s12 =	sshrl.u32 @!p0 s8, $0x3;
	s1 =	sadd.s32 $0x1, s1;
	[sflag:s11] =	ssyncadd.s32 $0xFFFFF800  }
0x9a: {  	s7 =	sor.u32 @!p0 $0x1C05, s7;
	p1 =	sne.s32 s1, s10;
	[bflag:$0x0] =	sbarrier.arrive $0xFFFF  }
0x9b: {  	[hbm:s9], [sflag:s7] =	dma.local @!p0 [spmem:s12], $0x7D0  }
.Ltmp3:
0x9c: {  	_ = 	snop;
	(pc) =	sbr.rel @p1 .LBB2_1-.Ltmp3, $4  }
0x9d: {  	s7 =	simm.s32 @!p0 $0x5  }
0x9e: {  	_ =	swait.ge @!p0 [sflag:s7], $0x7D0  }
0x9f: {  	[sflag:s7] =	ssyncset.done @!p0 $0x0  }
0xa0: {  	[sflag:s7] =	ssyncadd.s32 @!p0 $0xFFFFF830  }
0xa1: {  	_ =	sfence.sel $0x180000  }
0xa2: {  	[bflag:$0x0] =	sbarrier.arrive $0xFFFF  }
0xa3: {  	_ =	strace $0x9000004A  }
0xa4: {  	[bflag:$0x2] =	sbarrier.arrive $0xFFFF  }
0xa5: {  	p0 =	sne.s32 s0, $0x0;
	s0 =	rddreg [dreg:$0x4]  }
0xa6: {  	s0 =	sadd.s32 @!p0 $0x100000, s0  }
0xa7: {  	[sflag:s0] =	ssyncadd.tile.s32 @!p0 $0x1;
	_ =	shalt  }
.Lfunc_end2:
_tile_overlayer_lowered:
.L_overlay_start_2:
0xa8: {  	(tag) =	ssettag $0x2  }
0xa9: {  	s0 =	rddreg [dreg:$0x0];
	s2 =	stileid.u32  }
0xaa: {  	s1 =	rddreg [dreg:$0x1];
	p0 =	sne.s32 s2, $0x0  }
0xab: {  	s3 =	rddreg [dreg:$0x2];
	[bflag:$0x3] =	sbarrier.arrive $0xFFFF;
	s2 =	simm.s32 @!p0 $0x1C05  }
0xac: {  	[timem:s3], [sflag:s2] =	dma.local @!p0 [hbm:s0], s1  }
0xad: {  	s0 =	simm.s32 @!p0 $0x5  }
0xae: {  	_ =	swait.ge @!p0 [sflag:s0], s1  }
0xaf: {  	s1 =	ssub.s32 @!p0 $0x0, s1;
	[sflag:s0] =	ssyncset.done @!p0 $0x0  }
0xb0: {  	[sflag:s0] =	ssyncadd.s32 @!p0 s1  }
0xb1: {  	[bflag:$0x3] =	sbarrier.arrive $0xFFFF  }
0xb2: {  	_ =	shalt  }

// kernel: kernel.7.cloned.1.call-start
scs
__scs_entry_jumppad:
0x0: {  	(pc) =	sbr.rel $0x88, $3  }
0x1: {  	(tag) =	ssettag $0x0;
	lr =	simm.s32 $0x1  }
0x2: {  	[smem:$0x3F99] =	sst lr;
	_ =	strace $0xD0000000  }
0x3: {  	_ = 	snop  }
0x4: {  	_ = 	snop  }
0x5: {  	_ = 	snop  }
0x6: {  	_ = 	snop  }
0x7: {  	_ = 	snop  }
__scs_overlays_trampoline_lowered:
0x8: {  	[smem:$0x3FA8] =	sst s0  }
0x9: {  	[smem:$0x3FA9] =	sst s1  }
0xa: {  	[smem:$0x3FAA] =	sst s2  }
0xb: {  	[smem:$0x3FAB] =	sst s3  }
0xc: {  	[smem:$0x3FAC] =	sst s4  }
0xd: {  	[smem:$0x3FAD] =	sst s5  }
0xe: {  	[smem:$0x3FAE] =	sst s6  }
0xf: {  	[smem:$0x3FAF] =	sst s7  }
0x10: {  	[smem:$0x3FB0] =	sst s8  }
0x11: {  	[smem:$0x3FB1] =	sst s9;
	s0 =	simm.s32 @!p0 $0x0  }
0x12: {  	s1 =	sld [smem:$0x3F97];
	s0 =	simm.s32 @p0 $0x1  }
0x13: {  	[smem:$0x3FB2] =	sst s0;
	s0 =	simm.s32 @!p1 $0x0  }
0x14: {  	s2 =	sld [smem:$0x3F96];
	s0 =	simm.s32 @p1 $0x1  }
0x15: {  	[smem:$0x3FB3] =	sst s0;
	s0 =	simm.s32 @!p2 $0x0  }
0x16: {  	s3 =	sld [smem:$0x3FDB];
	s0 =	simm.s32 @p2 $0x1  }
0x17: {  	s4 =	simm.s32 $0x1BF5;
	[smem:$0x3FB5] =	sst s0  }
0x18: {  	s0 =	sld [smem:$0x3F98];
	_ =	swait.ge [sflag:s4], $0x0  }
0x19: {  	s7 =	sld [smem:$0x3F99]  }
0x1a: {  	s8 =	sadd.s32 $0xFFFFE003, lr  }
0x1b: {  	s9 =	sadd.s32 $0xFFFFFEF7, lr;
	s5 =	simm.s32 $0xFFFFFFFF;
	p2 =	slt.u32 s8, $0xFFFFF086  }
0x1c: {  	p1 =	slt.u32 s9, $0xF7A;
	s5 =	simm.s32 @!p2 $0x0  }
0x1d: {  	s5 =	simm.s32 @p1 $0x1;
	p0 =	seq.s32 s7, s2  }
0x1e: {  	s7 =	smul.u32 @!p0 $0xF7A, s2;
	p2 =	seq.s32 @!p0 s5, $0x0  }
0x1f: {  	s9 =	smul.u32 $0xF7A, s1;
	s8 =	simm.s32 @!p0 $0x1BF5;
	p2 =	por !p2, p0  }
0x20: {  	[sflag:s8] =	ssyncset.s32 @!p0 $0xFFFFF086;
	s6 =	sadd.s32 @!p0 s3, s7;
	s7 =	simm.s32 @!p0 $0x108  }
0x21: {  	s3 =	sadd.s32 s3, s9;
	s6 =	sadd.s32 @!p0 $0x88, s6;
	s7 =	simm.s32 @p2 $0x1082  }
0x22: {  	[simem:s7], [sflag:s8] =	dma.local @!p0 [hbm:s6], $0xF7A  }
0x23: {  	s9 =	sor.u32 $0xD0000000, s2;
	s6 =	simm.s32 $0x108;
	_ =	swait.ge @!p0 [sflag:s8], $0x0  }
0x24: {  	s3 =	sadd.s32 $0x88, s3;
	s6 =	simm.s32 @!p1 $0x1082;
	[sflag:s4] =	ssyncset.s32 $0xFFFFF086  }
0x25: {  	[simem:s6], [sflag:s4] =	dma.local [hbm:s3], $0xF7A  }
0x26: {  	[smem:$0x3F99] =	sst s1;
	(tag) =	ssettag s2;
	_ =	strace s9  }
0x27: {  	s1 =	sld [smem:$0x3FA9]  }
0x28: {  	s2 =	sld [smem:$0x3FAA]  }
0x29: {  	s4 =	sld [smem:$0x3FAC]  }
0x2a: {  	p0 =	seq.s32 s5, $0x0;
	s5 =	sld [smem:$0x3FAD]  }
0x2b: {  	s6 =	sld [smem:$0x3FAE]  }
0x2c: {  	s7 =	sld [smem:$0x3FAF]  }
0x2d: {  	s3 =	simm.s32 $0x108;
	s8 =	sld [smem:$0x3FB0]  }
0x2e: {  	s3 =	simm.s32 @!p0 $0x1082;
	s9 =	sld [smem:$0x3FB1]  }
0x2f: {  	lr =	sadd.s32 s0, s3;
	s0 =	sld [smem:$0x3FA8]  }
0x30: {  	s3 =	sld [smem:$0x3FAB]  }
0x31: {  	[smem:$0x3FB4] =	sst s10  }
0x32: {  	s10 =	sld [smem:$0x3FB2];
	_ =	sdelay $0x3  }
0x33: {  	p0 =	seq.s32 s10, $0x1;
	s10 =	sld [smem:$0x3FB4];
	_ =	sdelay $0x3  }
0x34: {  	[smem:$0x3FB4] =	sst s10  }
0x35: {  	s10 =	sld [smem:$0x3FB3];
	_ =	sdelay $0x3  }
0x36: {  	p1 =	seq.s32 s10, $0x1;
	s10 =	sld [smem:$0x3FB4];
	_ =	sdelay $0x3  }
0x37: {  	[smem:$0x3FB4] =	sst s10  }
0x38: {  	s10 =	sld [smem:$0x3FB5]  }
0x39: {  	_ = 	snop;
	(pc) =	sbr.ind lr, $3  }
0x3a: {  	_ = 	snop  }
0x3b: {  	_ = 	snop  }
0x3c: {  	p2 =	seq.s32 s10, $0x1;
	s10 =	sld [smem:$0x3FB4]  }
0x3d: {  	_ =	shalt  }
0x3e: {  	_ =	shalt  }
0x3f: {  	_ =	shalt  }
0x40: {  	_ =	shalt  }
0x41: {  	_ =	shalt  }
0x42: {  	_ =	shalt  }
0x43: {  	_ =	shalt  }
0x44: {  	_ =	shalt  }
0x45: {  	_ =	shalt  }
0x46: {  	_ =	shalt  }
0x47: {  	_ =	shalt  }
0x48: {  	_ =	shalt  }
0x49: {  	_ =	shalt  }
0x4a: {  	_ =	shalt  }
0x4b: {  	_ =	shalt  }
0x4c: {  	_ =	shalt  }
0x4d: {  	_ =	shalt  }
0x4e: {  	_ =	shalt  }
0x4f: {  	_ =	shalt  }
0x50: {  	_ =	shalt  }
0x51: {  	_ =	shalt  }
0x52: {  	_ =	shalt  }
0x53: {  	_ =	shalt  }
0x54: {  	_ =	shalt  }
0x55: {  	_ =	shalt  }
0x56: {  	_ =	shalt  }
0x57: {  	_ =	shalt  }
0x58: {  	_ =	shalt  }
0x59: {  	_ =	shalt  }
0x5a: {  	_ =	shalt  }
0x5b: {  	_ =	shalt  }
0x5c: {  	_ =	shalt  }
0x5d: {  	_ =	shalt  }
0x5e: {  	_ =	shalt  }
0x5f: {  	_ =	shalt  }
0x60: {  	_ =	shalt  }
0x61: {  	_ =	shalt  }
0x62: {  	_ =	shalt  }
0x63: {  	_ =	shalt  }
0x64: {  	_ =	shalt  }
0x65: {  	_ =	shalt  }
0x66: {  	_ =	shalt  }
0x67: {  	_ =	shalt  }
0x68: {  	_ =	shalt  }
0x69: {  	_ =	shalt  }
0x6a: {  	_ =	shalt  }
0x6b: {  	_ =	shalt  }
0x6c: {  	_ =	shalt  }
0x6d: {  	_ =	shalt  }
0x6e: {  	_ =	shalt  }
0x6f: {  	_ =	shalt  }
0x70: {  	_ =	shalt  }
0x71: {  	_ =	shalt  }
0x72: {  	_ =	shalt  }
0x73: {  	_ =	shalt  }
0x74: {  	_ =	shalt  }
0x75: {  	_ =	shalt  }
0x76: {  	_ =	shalt  }
0x77: {  	_ =	shalt  }
0x78: {  	_ =	shalt  }
0x79: {  	_ =	shalt  }
0x7a: {  	_ =	shalt  }
0x7b: {  	_ =	shalt  }
0x7c: {  	_ =	shalt  }
0x7d: {  	_ =	shalt  }
0x7e: {  	_ =	shalt  }
0x7f: {  	_ =	shalt  }
0x80: {  	_ =	shalt  }
0x81: {  	_ =	shalt  }
0x82: {  	_ =	shalt  }
0x83: {  	_ =	shalt  }
0x84: {  	_ =	shalt  }
0x85: {  	_ =	shalt  }
0x86: {  	_ =	shalt  }
0x87: {  	_ =	shalt  }
.Lfunc_end0:
.L_simem_size_0:
called_computation_lowered:
.L_overlay_start_0:
0x88: {  	s2 =	sld [smem:$0x3FD9]  }
0x89: {  	s3 =	sld [smem:$0x3FFE];
	_ =	sdelay $0x1  }
0x8a: {  	s1 =	srdreg.scid  }
0x8b: {  	s0 =	sand.u32 $0x1, s1  }
0x8c: {  	s17 =	sshll.u32 s0, $0xA;
	s2 =	sadd.s32 s3, s2  }
0x8d: {  	s2 =	sadd.s32 s2, s17  }
0x8e: {  	[smem:$0x3FC0] =	sst s2  }
0x8f: {  	_ = 	snop  }
0x90: {  	s2 =	sld [smem:$0x3FD0];
	(tm) =	ssettm $0x1  }
0x91: {  	s18 =	sld [smem:$0x3FFB];
	_ =	sdelay $0x3  }
0x92: {  	_ =	strace s18  }
0x93: {  	s3 =	sld [smem:$0x3FFC];
	_ =	sdelay $0x3  }
0x94: {  	_ =	strace s3  }
0x95: {  	s3 =	sld [smem:$0x3FFD];
	_ =	sdelay $0x3  }
0x96: {  	_ =	strace s3  }
0x97: {  	_ =	strace $0x8FFFFFFF  }
0x98: {  	s19 =	sld [smem:$0x3FDB];
	_ =	sdelay $0x1  }
0x99: {  	s4 =	simm.s32 $_scs_section_size  }
0x9a: {  	s5 =	simm.s32 $_size__tile_overlayer_lowered;
	s6 =	simm.s32 $_tile_overlayer_lowered  }
0x9b: {  	s22 =	simm.s32 $0x1BFF;
	s21 =	sshll.u32 s6, $0x1;
	s3 =	sadd.s32 s4, s19  }
0x9c: {  	s7 =	simm.s32 $0x0;
	s20 =	sshll.u32 s5, $0x1;
	s5 =	sadd.s32 s21, s3  }
0x9d: {  	[timem:s7], [sflag:s22] =	dma.local [hbm:s5], s20  }
0x9e: {  	_ =	swait.ge [sflag:s22], s20  }
0x9f: {  	s4 =	ssub.s32 $0x0, s20;
	[sflag:s22] =	ssyncset.done $0x0  }
0xa0: {  	[sflag:s22] =	ssyncadd.s32 s4;
	_ =	sdelay $0x1  }
0xa1: {  	s23 =	simm.s32 $0x1B8B  }
0xa2: {  	_ =	swait.ge [sflag:s23], $0x1  }
0xa3: {  	[sflag:s23] =	ssyncset.done $0x0  }
0xa4: {  	s25 =	simm.s32 $0x1B8E;
	s24 =	sld [smem:$0x3FFE];
	[sflag:s23] =	ssyncadd.s32 $0xFFFFFFFF  }
0xa5: {  	s26 =	simm.s32 $execute0_lowered;
	[smem:$0x3FD2] =	sst s25  }
0xa6: {  	s5 =	sshll.u32 s26, $0x1;
	_ =	strace $0x80000046;
	[dreg:$0x1] =	wrdreg $0xFFFFFFFF  }
0xa7: {  	s28 =	simm.s32 $_size_execute0_lowered;
	s3 =	sadd.s32 s3, s5;
	[dreg:$0x0] =	wrdreg $0x0  }
0xa8: {  	s5 =	sshll.u32 s28, $0x1;
	[dreg:$0x2] =	wrdreg s3  }
0xa9: {  	[dreg:$0x3] =	wrdreg s5  }
0xaa: {  	[dreg:$0x4] =	wrdreg $0xC0  }
0xab: {  	_ =	task [dreg:s7], $0x5FFFF  }
0xac: {  	[dreg:$0x1] =	wrdreg $0xFFFFFFFF  }
0xad: {  	[dreg:$0x0] =	wrdreg $0x60  }
0xae: {  	[dreg:$0x2] =	wrdreg s24  }
0xaf: {  	[dreg:$0x3] =	wrdreg s2  }
0xb0: {  	[dreg:$0x4] =	wrdreg $0xD5980  }
0xb1: {  	[dreg:$0x5] =	wrdreg $0xAE800  }
0xb2: {  	[dreg:$0x6] =	wrdreg $0x9  }
0xb3: {  	_ =	task.clear_ibuf [dreg:s7], $0x7FFFF;
	_ =	strace $0x90000046  }
0xb4: {  	s29 =	simm.s32 $0x9;
	_ =	strace $0x80000048  }
0xb5: {  	_ =	swait.ge [sflag:s29], $0x1  }
0xb6: {  	[sflag:s29] =	ssyncadd.s32 $0xFFFFFFFF  }
0xb7: {  	_ =	strace $0x90000048  }
0xb8: {  	_ =	sfence  }
0xb9: {  	s30 =	sld [smem:$0x0];
	_ =	sdelay $0x2  }
0xba: {  	s31 =	sshll.u32 s1, $0xD;
	s1 =	sshrl.u32 s1, $0x2  }
0xbb: {  	s3 =	sand.u32 $0x4000, s31;
	s1 =	sadd.s32 s1, s30  }
0xbc: {  	s0 =	sor.u32 s3, s0;
	s1 =	sshll.u32 s1, $0x11  }
0xbd: {  	s0 =	sor.u32 s1, s0  }
0xbe: {  	s0 =	sadd.s32 $0x8F2B, s0  }
0xbf: {  	[sflag:s0] =	ssyncadd.remote.s32 $0x1  }
0xc0: {  	_ =	sfence.sel $0xFFFF  }
0xc1: {  	[dreg:$0x0] =	wrdreg $0xFFFFFFFF;
	(pc) =	sbr.abs _section_cstart, $3  }
0xc2: {  	[dreg:$0x1] =	wrdreg $0xFFFFFFFF  }
0xc3: {  	_ =	task.clear_ibuf [dreg:s7], $0x2FFFF;
	_ =	strace $0x9FFFFFFF  }
0xc4: {  	(tm) =	ssettm $0x7FFFFFFF  }
0xc5: {  	_ =	shalt  }
tec
execute0_lowered:
.L_overlay_start_1:
0x0: {  	(tag) =	ssettag $0x1  }
0x1: {  	s1 =	rddreg [dreg:$0x0]  }
0x2: {  	s6 =	rddreg [dreg:$0x1]  }
0x3: {  	s0 =	srdreg.scid;
	s2 =	rddreg [dreg:$0x2];
	s16 =	simm.s32 $0x80  }
0x4: {  	s17 =	simm.s32 $0x5000;
	s18 =	simm.s32 $0x5800;
	s19 =	simm.s32 $0x100  }
0x5: {  	s20 =	simm.s32 $0x6000;
	s21 =	simm.s32 $0x180;
	s22 =	simm.s32 $0x6800  }
0x6: {  	s23 =	simm.s32 $0x1;
	s24 =	simm.s32 $0x2;
	s28 =	simm.s32 $0x4E00  }
0x7: {  	s29 =	simm.s32 $0x4E80;
	s5 =	sand.u32 $0x1, s0;
	s0 =	stileid.u32  }
0x8: {  	s30 =	simm.s32 $0x4F00;
	s31 =	simm.s32 $0x4F80;
	s8 =	smul.u32 $0x3E80, s0  }
0x9: {  	s3 =	sshll.u32 s5, $0x4;
	s9 =	smul.u32 $0x27100, s5;
	s5 =	ssub.s32 $0x2, s5  }
0xa: {  	p0 =	sgt.u32 s0, $0x9;
	s26 =	sshll.u32 s0, $0x6;
	s4 =	sor.u32 s0, s3  }
0xb: {  	s3 =	rddreg [dreg:$0x3];
	s12 =	sshrl.u32 s5, $0x1;
	s13 =	sor.u32 $0x1C05, s26  }
0xc: {  	s26 =	simm.s32 $0x4;
	s7 =	smul.u32 $0x500, s4;
	s4 =	simm.s32 $0x0  }
0xd: {  	s9 =	sadd.s32 s8, s9;
	s11 =	sshrl.u32 s8, $0x3;
	s12 =	ssub.s32 s5, s12  }
0xe: {  	s14 =	sadd.s32 s8, s2;
	s8 =	sadd.s32 s8, s3;
	[smem:$0x7FF] =	sst s4  }
0xf: {  	s9 =	sshrl.u32 s9, $0x3;
	s11 =	sadd.s32 s11, s1;
	s14 =	sshrl.u32 s14, $0x3  }
0x10: {  	_ =	strace $0x80000047;
	s10 =	sadd.s32 s7, s1;
	s1 =	sadd.s32 s9, s1  }
0x11: {  	s6 =	sadd.s32 s6, s7;
	s25 =	sadd.s32 $0xC200, s11;
	s11 =	simm.s32 $0x5  }
0x12: {  	s5 =	sadd.s32 $0x2200, s10;
	[dreg:$0x5] =	wrdreg s25;
	s9 =	sadd.s32 $0x11200, s1  }
0x13: {  	v0 =	vimm.f32 $0.0e+00;
	s10 =	smax.u32 s12, $0x1;
	s25 =	simm.s32 $0x3;
	s1 =	simm.s32 $0x0  }
.LBB2_1:
0x14: {  	[tilespmem:s4], [sflag:$0x5] =	stream.linear.gather [hbm4b:s5+s4], $0x2800, $0x38;
	[tilespmem:$0xFCB0] =	vst v63  }
0x15: {  	_ =	swait.ge [sflag:s11], $0x2800  }
0x16: {  	[sflag:s11] =	ssyncset.done $0x0  }
.Ltmp0:
0x17: {  	s7 =	simm.s32 $0x2800;
	[sflag:s11] =	ssyncadd.s32 $0xFFFFD800;
	(pc) =	sbr.rel @p0 .LBB2_5-.Ltmp0, $4  }
0x18: {  	[tilespmem:s7], [sflag:$0x5] =	stream.linear.gather [hbm4b:s6+s4], $0x2800, $0x38;
	[tilespmem:$0xFCB0] =	vst v63  }
0x19: {  	_ =	swait.ge [sflag:s11], $0x2800  }
0x1a: {  	[sflag:s11] =	ssyncset.done $0x0  }
0x1b: {  	[sflag:s11] =	ssyncadd.s32 $0xFFFFD800  }
0x1c: {  	s7 =	rddreg [dreg:$0x5]  }
0x1d: {  	[spmem:s14], [sflag:s13] =	dma.local [hbm:s7], $0x7D0  }
0x1e: {  	_ =	swait.ge [sflag:s11], $0x7D0  }
0x1f: {  	[sflag:s11] =	ssyncset.done $0x0  }
0x20: {  	s12 =	simm.s32 $0x7040;
	[sflag:s11] =	ssyncadd.s32 $0xFFFFF830  }
0x21: {  	[tilespmem:s12+$0xFFFFFFC0] =	vst v0  }
0x22: {  	[tilespmem:s12+$0x30] =	vst v0  }
0x23: {  	[tilespmem:s12+$0x20] =	vst v0  }
0x24: {  	[tilespmem:s12+$0x10] =	vst v0  }
0x25: {  	[tilespmem:s12+$0x0] =	vst v0  }
0x26: {  	[tilespmem:s12+$0xFFFFFFF0] =	vst v0  }
0x27: {  	s15 =	simm.s32 $0x0;
	[tilespmem:s12+$0xFFFFFFE0] =	vst v0  }
.LBB2_3:
0x28: {  	s15 =	sadd.s32 $0x8, s15;
	[tilespmem:s12+$0xFFFFFFD0] =	vst v0;
	s12 =	sadd.s32 $0x80, s12  }
0x29: {  	[tilespmem:s12+$0xFFFFFFC0] =	vst v0;
	p1 =	slt.u32 s15, $0x3E0  }
0x2a: {  	[tilespmem:s12+$0x30] =	vst v0  }
.Ltmp1:
0x2b: {  	[tilespmem:s12+$0x20] =	vst v0;
	(pc) =	sbr.rel @p1 .LBB2_3-.Ltmp1, $4  }
0x2c: {  	[tilespmem:s12+$0x10] =	vst v0  }
0x2d: {  	[tilespmem:s12+$0x0] =	vst v0  }
0x2e: {  	[tilespmem:s12+$0xFFFFFFF0] =	vst v0  }
0x2f: {  	[tilespmem:s12+$0xFFFFFFE0] =	vst v0  }
0x30: {  	[tilespmem:s12+$0xFFFFFFD0] =	vst v0;
	s7 =	simm.s32 $0x7000  }
0x31: {  	[spmem:s8] =	stream.linear.scatter [tilespmem:s7], [sflag:$0x5], $0x3E80, $0x38;
	[tilespmem:$0xFCB0] =	vst v63  }
0x32: {  	_ =	swait.ge [sflag:s11], $0x3E80  }
0x33: {  	[sflag:s11] =	ssyncset.done $0x0  }
0x34: {  	[sflag:s11] =	ssyncadd.s32 $0xFFFFC180  }
.LBB2_5:
0x35: {  	[bflag:$0x0] =	sbarrier.arrive $0xFFFF;
	s12 =	simm.s32 $0x0  }
0x36: {  	[tilespmem:s17], [sflag:$0x1] =	stream.indirect.gather [spmem:s2], $0x10, s12, s16, $0xb8;
	[tilespmem:$0xFCB0] =	vst v63  }
0x37: {  	_ = 	snop  }
0x38: {  	[tilespmem:s18], [sflag:$0x2] =	stream.indirect.gather [spmem:s2], $0x10, s16, s16, $0xb8;
	[tilespmem:$0xFCB0] =	vst v63  }
0x39: {  	_ = 	snop  }
0x3a: {  	[tilespmem:s20], [sflag:$0x3] =	stream.indirect.gather [spmem:s2], $0x10, s19, s16, $0xb8;
	[tilespmem:$0xFCB0] =	vst v63  }
0x3b: {  	_ = 	snop  }
0x3c: {  	[tilespmem:s22], [sflag:$0x4] =	stream.indirect.gather [spmem:s2], $0x10, s21, s16, $0xb8;
	[tilespmem:$0xFCB0] =	vst v63  }
0x3d: {  	_ =	swait.ge [sflag:s23], $0x800  }
0x3e: {  	[sflag:s23] =	ssyncset.done $0x0  }
0x3f: {  	s15 =	simm.s32 $0x2800;
	[sflag:s23] =	ssyncadd.s32 $0xFFFFF800  }
0x40: {  	[spmem:s3] =	stream.indirect.scatter.add.f32 [tilespmem:s17], [sflag:$0x5], $0x10, s15, s16, $0xb8;
	[tilespmem:$0xFCB0] =	vst v63  }
0x41: {  	_ =	swait.ge [sflag:s11], $0x800  }
0x42: {  	[sflag:s11] =	ssyncset.done $0x0  }
0x43: {  	s7 =	simm.s32 $0x200;
	[sflag:s11] =	ssyncadd.s32 $0xFFFFF800  }
0x44: {  	[tilespmem:s17], [sflag:$0x1] =	stream.indirect.gather [spmem:s2], $0x10, s7, s16, $0xb8;
	[tilespmem:$0xFCB0] =	vst v63  }
0x45: {  	_ =	swait.ge [sflag:s24], $0x800  }
0x46: {  	[sflag:s24] =	ssyncset.done $0x0  }
0x47: {  	s15 =	simm.s32 $0x2880;
	[sflag:s24] =	ssyncadd.s32 $0xFFFFF800  }
0x48: {  	[spmem:s3] =	stream.indirect.scatter.add.f32 [tilespmem:s18], [sflag:$0x5], $0x10, s15, s16, $0xb8;
	[tilespmem:$0xFCB0] =	vst v63  }
0x49: {  	_ =	swait.ge [sflag:s11], $0x800  }
0x4a: {  	[sflag:s11] =	ssyncset.done $0x0  }
0x4b: {  	s7 =	simm.s32 $0x280;
	[sflag:s11] =	ssyncadd.s32 $0xFFFFF800  }
0x4c: {  	[tilespmem:s18], [sflag:$0x2] =	stream.indirect.gather [spmem:s2], $0x10, s7, s16, $0xb8;
	[tilespmem:$0xFCB0] =	vst v63  }
0x4d: {  	_ =	swait.ge [sflag:s25], $0x800  }
0x4e: {  	[sflag:s25] =	ssyncset.done $0x0  }
0x4f: {  	s15 =	simm.s32 $0x2900;
	[sflag:s25] =	ssyncadd.s32 $0xFFFFF800  }
0x50: {  	[spmem:s3] =	stream.indirect.scatter.add.f32 [tilespmem:s20], [sflag:$0x5], $0x10, s15, s16, $0xb8;
	[tilespmem:$0xFCB0] =	vst v63  }
0x51: {  	_ =	swait.ge [sflag:s11], $0x800  }
0x52: {  	[sflag:s11] =	ssyncset.done $0x0  }
0x53: {  	s7 =	simm.s32 $0x300;
	[sflag:s11] =	ssyncadd.s32 $0xFFFFF800  }
0x54: {  	[tilespmem:s20], [sflag:$0x3] =	stream.indirect.gather [spmem:s2], $0x10, s7, s16, $0xb8;
	[tilespmem:$0xFCB0] =	vst v63  }
0x55: {  	_ =	swait.ge [sflag:s26], $0x800  }
0x56: {  	[sflag:s26] =	ssyncset.done $0x0  }
0x57: {  	s15 =	simm.s32 $0x2980;
	[sflag:s26] =	ssyncadd.s32 $0xFFFFF800  }
0x58: {  	[spmem:s3] =	stream.indirect.scatter.add.f32 [tilespmem:s22], [sflag:$0x5], $0x10, s15, s16, $0xb8;
	[tilespmem:$0xFCB0] =	vst v63  }
0x59: {  	_ =	swait.ge [sflag:s11], $0x800  }
0x5a: {  	[sflag:s11] =	ssyncset.done $0x0  }
0x5b: {  	s12 =	simm.s32 $0x380;
	s15 =	simm.s32 $0x800;
	[sflag:s11] =	ssyncadd.s32 $0xFFFFF800  }
.LBB2_6:
0x5c: {  	[tilespmem:s22], [sflag:$0x4] =	stream.indirect.gather [spmem:s2], $0x10, s12, s16, $0xb8;
	[tilespmem:$0xFCB0] =	vst v63  }
0x5d: {  	s12 =	smov.u32 s15  }
0x5e: {  	p1 =	sne.s32 s15, $0x9000;
	s15 =	sadd.s32 $0x800, s15;
	_ =	swait.ge [sflag:s23], $0x800  }
0x5f: {  	s12 =	sshra.s32 s12, $0x2;
	[sflag:s23] =	ssyncset.done $0x0  }
0x60: {  	s7 =	sadd.s32 $0x2800, s12;
	[sflag:s23] =	ssyncadd.s32 $0xFFFFF800  }
0x61: {  	[spmem:s3] =	stream.indirect.scatter.add.f32 [tilespmem:s17], [sflag:$0x5], $0x10, s7, s16, $0xb8;
	[tilespmem:$0xFCB0] =	vst v63  }
0x62: {  	_ =	swait.ge [sflag:s11], $0x800  }
0x63: {  	[sflag:s11] =	ssyncset.done $0x0  }
0x64: {  	s7 =	sadd.s32 $0x200, s12;
	[sflag:s11] =	ssyncadd.s32 $0xFFFFF800  }
0x65: {  	[tilespmem:s17], [sflag:$0x1] =	stream.indirect.gather [spmem:s2], $0x10, s7, s16, $0xb8;
	[tilespmem:$0xFCB0] =	vst v63  }
0x66: {  	_ =	swait.ge [sflag:s24], $0x800  }
0x67: {  	[sflag:s24] =	ssyncset.done $0x0  }
0x68: {  	s7 =	sadd.s32 $0x2880, s12;
	[sflag:s24] =	ssyncadd.s32 $0xFFFFF800  }
0x69: {  	[spmem:s3] =	stream.indirect.scatter.add.f32 [tilespmem:s18], [sflag:$0x5], $0x10, s7, s16, $0xb8;
	[tilespmem:$0xFCB0] =	vst v63  }
0x6a: {  	_ =	swait.ge [sflag:s11], $0x800  }
0x6b: {  	[sflag:s11] =	ssyncset.done $0x0  }
0x6c: {  	s7 =	sadd.s32 $0x280, s12;
	[sflag:s11] =	ssyncadd.s32 $0xFFFFF800  }
0x6d: {  	[tilespmem:s18], [sflag:$0x2] =	stream.indirect.gather [spmem:s2], $0x10, s7, s16, $0xb8;
	[tilespmem:$0xFCB0] =	vst v63  }
0x6e: {  	_ =	swait.ge [sflag:s25], $0x800  }
0x6f: {  	[sflag:s25] =	ssyncset.done $0x0  }
0x70: {  	s7 =	sadd.s32 $0x2900, s12;
	[sflag:s25] =	ssyncadd.s32 $0xFFFFF800  }
0x71: {  	[spmem:s3] =	stream.indirect.scatter.add.f32 [tilespmem:s20], [sflag:$0x5], $0x10, s7, s16, $0xb8;
	[tilespmem:$0xFCB0] =	vst v63  }
0x72: {  	_ =	swait.ge [sflag:s11], $0x800  }
0x73: {  	[sflag:s11] =	ssyncset.done $0x0  }
0x74: {  	s7 =	sadd.s32 $0x300, s12;
	[sflag:s11] =	ssyncadd.s32 $0xFFFFF800  }
0x75: {  	[tilespmem:s20], [sflag:$0x3] =	stream.indirect.gather [spmem:s2], $0x10, s7, s16, $0xb8;
	[tilespmem:$0xFCB0] =	vst v63  }
0x76: {  	_ =	swait.ge [sflag:s26], $0x800  }
0x77: {  	[sflag:s26] =	ssyncset.done $0x0  }
.Ltmp2:
0x78: {  	s7 =	sadd.s32 $0x2980, s12;
	[sflag:s26] =	ssyncadd.s32 $0xFFFFF800;
	(pc) =	sbr.rel @p1 .LBB2_6-.Ltmp2, $4  }
0x79: {  	[spmem:s3] =	stream.indirect.scatter.add.f32 [tilespmem:s22], [sflag:$0x5], $0x10, s7, s16, $0xb8;
	[tilespmem:$0xFCB0] =	vst v63  }
0x7a: {  	_ =	swait.ge [sflag:s11], $0x800  }
0x7b: {  	[sflag:s11] =	ssyncset.done $0x0  }
0x7c: {  	s12 =	sadd.s32 $0x380, s12;
	[sflag:s11] =	ssyncadd.s32 $0xFFFFF800  }
0x7d: {  	[tilespmem:s22], [sflag:$0x4] =	stream.indirect.gather [spmem:s2], $0x10, s12, s16, $0xb8;
	[tilespmem:$0xFCB0] =	vst v63  }
0x7e: {  	_ =	swait.ge [sflag:s23], $0x800  }
0x7f: {  	[sflag:s23] =	ssyncset.done $0x0  }
0x80: {  	[sflag:s23] =	ssyncadd.s32 $0xFFFFF800  }
0x81: {  	[spmem:s3] =	stream.indirect.scatter.add.f32 [tilespmem:s17], [sflag:$0x5], $0x10, s28, s16, $0xb8;
	[tilespmem:$0xFCB0] =	vst v63  }
0x82: {  	_ =	swait.ge [sflag:s11], $0x800  }
0x83: {  	[sflag:s11] =	ssyncset.done $0x0  }
0x84: {  	[sflag:s11] =	ssyncadd.s32 $0xFFFFF800  }
0x85: {  	_ =	swait.ge [sflag:s24], $0x800  }
0x86: {  	[sflag:s24] =	ssyncset.done $0x0  }
0x87: {  	[sflag:s24] =	ssyncadd.s32 $0xFFFFF800  }
0x88: {  	[spmem:s3] =	stream.indirect.scatter.add.f32 [tilespmem:s18], [sflag:$0x5], $0x10, s29, s16, $0xb8;
	[tilespmem:$0xFCB0] =	vst v63  }
0x89: {  	_ =	swait.ge [sflag:s11], $0x800  }
0x8a: {  	[sflag:s11] =	ssyncset.done $0x0  }
0x8b: {  	[sflag:s11] =	ssyncadd.s32 $0xFFFFF800  }
0x8c: {  	_ =	swait.ge [sflag:s25], $0x800  }
0x8d: {  	[sflag:s25] =	ssyncset.done $0x0  }
0x8e: {  	[sflag:s25] =	ssyncadd.s32 $0xFFFFF800  }
0x8f: {  	[spmem:s3] =	stream.indirect.scatter.add.f32 [tilespmem:s20], [sflag:$0x5], $0x10, s30, s16, $0xb8;
	[tilespmem:$0xFCB0] =	vst v63  }
0x90: {  	_ =	swait.ge [sflag:s11], $0x800  }
0x91: {  	[sflag:s11] =	ssyncset.done $0x0  }
0x92: {  	[sflag:s11] =	ssyncadd.s32 $0xFFFFF800  }
0x93: {  	_ =	swait.ge [sflag:s26], $0x800  }
0x94: {  	[sflag:s26] =	ssyncset.done $0x0  }
0x95: {  	[sflag:s26] =	ssyncadd.s32 $0xFFFFF800  }
0x96: {  	[spmem:s3] =	stream.indirect.scatter.add.f32 [tilespmem:s22], [sflag:$0x5], $0x10, s31, s16, $0xb8;
	[tilespmem:$0xFCB0] =	vst v63  }
0x97: {  	_ =	swait.ge [sflag:s11], $0x800  }
0x98: {  	s7 =	sshll.u32 @!p0 s0, $0x6;
	[sflag:s11] =	ssyncset.done $0x0  }
0x99: {  	s12 =	sshrl.u32 @!p0 s8, $0x3;
	s1 =	sadd.s32 $0x1, s1;
	[sflag:s11] =	ssyncadd.s32 $0xFFFFF800  }
0x9a: {  	s7 =	sor.u32 @!p0 $0x1C05, s7;
	p1 =	sne.s32 s1, s10;
	[bflag:$0x0] =	sbarrier.arrive $0xFFFF  }
0x9b: {  	[hbm:s9], [sflag:s7] =	dma.local @!p0 [spmem:s12], $0x7D0  }
.Ltmp3:
0x9c: {  	_ = 	snop;
	(pc) =	sbr.rel @p1 .LBB2_1-.Ltmp3, $4  }
0x9d: {  	s7 =	simm.s32 @!p0 $0x5  }
0x9e: {  	_ =	swait.ge @!p0 [sflag:s7], $0x7D0  }
0x9f: {  	[sflag:s7] =	ssyncset.done @!p0 $0x0  }
0xa0: {  	[sflag:s7] =	ssyncadd.s32 @!p0 $0xFFFFF830  }
0xa1: {  	_ =	sfence.sel $0x180000  }
0xa2: {  	[bflag:$0x0] =	sbarrier.arrive $0xFFFF  }
0xa3: {  	_ =	strace $0x90000047  }
0xa4: {  	[bflag:$0x2] =	sbarrier.arrive $0xFFFF  }
0xa5: {  	p0 =	sne.s32 s0, $0x0;
	s0 =	rddreg [dreg:$0x4]  }
0xa6: {  	s0 =	sadd.s32 @!p0 $0x100000, s0  }
0xa7: {  	[sflag:s0] =	ssyncadd.tile.s32 @!p0 $0x1;
	_ =	shalt  }
.Lfunc_end2:
_tile_overlayer_lowered:
.L_overlay_start_2:
0xa8: {  	(tag) =	ssettag $0x2  }
0xa9: {  	s0 =	rddreg [dreg:$0x0];
	s2 =	stileid.u32  }
0xaa: {  	s1 =	rddreg [dreg:$0x1];
	p0 =	sne.s32 s2, $0x0  }
0xab: {  	s3 =	rddreg [dreg:$0x2];
	[bflag:$0x3] =	sbarrier.arrive $0xFFFF;
	s2 =	simm.s32 @!p0 $0x1C05  }
0xac: {  	[timem:s3], [sflag:s2] =	dma.local @!p0 [hbm:s0], s1  }
0xad: {  	s0 =	simm.s32 @!p0 $0x5  }
0xae: {  	_ =	swait.ge @!p0 [sflag:s0], s1  }
0xaf: {  	s1 =	ssub.s32 @!p0 $0x0, s1;
	[sflag:s0] =	ssyncset.done @!p0 $0x0  }
0xb0: {  	[sflag:s0] =	ssyncadd.s32 @!p0 s1  }
0xb1: {  	[bflag:$0x3] =	sbarrier.arrive $0xFFFF  }
0xb2: {  	_ =	shalt  }

</sc_bundles>
